<compile_context>
chip_gen: v7x
topology: tpu7x:2x2x1
jax: 0.10.2.dev20260603
libtpu: 0.0.44.dev20260713+nightly
codegen_flags: <defaults>
</compile_context>

<pallas_src>
import functools

import jax
import jax.numpy as jnp
from jax import lax
from jax.experimental import pallas as pl
from jax.experimental.pallas import tpu as pltpu
from jax.experimental.pallas import tpu_sc as plsc

_F32 = jnp.float32

_N = 10000
_E = 320000
_CH = 128

_W = 128
_NCHUNK = _E // _W
_NWORK = 32
_ITERS = -(-_NCHUNK // _NWORK)
_NPAD = 10240
_RPS = _NPAD // 16

_BE = 2000
_NBLK = _E // _BE

_vector_mesh = plsc.VectorSubcoreMesh(
    core_axis_name="core", subcore_axis_name="subcore")


def _gather_body(x_hbm, ridx_hbm, cidx_hbm, src_hbm, dst_hbm, s1, s2):
    def body(ri_v, ci_v, src_v, dst_v):
        a = pltpu.async_copy(x_hbm.at[ri_v.at[0]], src_v, s1)
        b = pltpu.async_copy(x_hbm.at[ci_v.at[0]], dst_v, s2)
        a.wait()
        b.wait()

    pltpu.emit_pipeline(
        body,
        grid=(ridx_hbm.shape[1] // _W,),
        in_specs=[pl.BlockSpec((1, _W), lambda i: (0, i)),
                  pl.BlockSpec((1, _W), lambda i: (0, i))],
        out_specs=[pl.BlockSpec((_W, _CH), lambda i: (i, 0)),
                   pl.BlockSpec((_W, _CH), lambda i: (i, 0))],
        core_axis_name=("core", "subcore"),
        dimension_semantics=(pltpu.PARALLEL,),
    )(ridx_hbm, cidx_hbm, src_hbm, dst_hbm)


@jax.jit
def _sc_gather(x, ridx, cidx):
    ne = ridx.shape[1]
    f = pl.kernel(
        _gather_body,
        out_type=[jax.ShapeDtypeStruct((ne, _CH), _F32),
                  jax.ShapeDtypeStruct((ne, _CH), _F32)],
        mesh=_vector_mesh,
        scratch_types=[pltpu.SemaphoreType.DMA,
                       pltpu.SemaphoreType.DMA],
    )
    return f(x, ridx, cidx)


def _edges_body(src_ref, dst_ref, ea_ref,
                wa_ref, wb_ref, wc_ref, be1_ref, we2_ref, be2_ref,
                wna_ref, wnb_ref, bn1_ref, wn2_ref, bn2_ref,
                en_ref, no_ref):
    src = src_ref[...]
    dst = dst_ref[...]
    ea = ea_ref[...]
    dot = functools.partial(jnp.dot, preferred_element_type=_F32)
    e_h = jnp.maximum(
        dot(src, wa_ref[...]) + dot(dst, wb_ref[...]) + dot(ea, wc_ref[...])
        + be1_ref[...], 0.0)
    edge_new = dot(e_h, we2_ref[...]) + be2_ref[...]
    en_ref[...] = edge_new
    n_h = jnp.maximum(
        dot(dst, wna_ref[...]) + dot(edge_new, wnb_ref[...]) + bn1_ref[...],
        0.0)
    no_ref[...] = dot(n_h, wn2_ref[...]) + bn2_ref[...]


@jax.jit
def _tc_edges(src, dst, ea, wa, wb, wc, be1, we2, be2, wna, wnb, bn1, wn2,
              bn2):
    blk = lambda i: (i, 0)
    full = lambda i: (0, 0)
    e_spec = pl.BlockSpec((_BE, _CH), blk)
    w_spec = pl.BlockSpec((_CH, _CH), full)
    b_spec = pl.BlockSpec((1, _CH), full)
    ne = src.shape[0]
    return pl.pallas_call(
        _edges_body,
        grid=(ne // _BE,),
        in_specs=[e_spec, e_spec, e_spec,
                  w_spec, w_spec, w_spec, b_spec, w_spec, b_spec,
                  w_spec, w_spec, b_spec, w_spec, b_spec],
        out_specs=[e_spec, e_spec],
        out_shape=[jax.ShapeDtypeStruct((ne, _CH), _F32),
                   jax.ShapeDtypeStruct((ne, _CH), _F32)],
    )(src, dst, ea, wa, wb, wc, be1, we2, be2, wna, wnb, bn1, wn2, bn2)


_WG = 64


def _scatter_sums_body(nout_hbm, ridx_hbm, zsum_hbm, sums_hbm,
                       acc_shr, stg_v):
    cid = lax.axis_index("core")
    sid = lax.axis_index("subcore")
    r0 = sid * _RPS
    nstripe = _RPS // _WG

    pltpu.sync_copy(zsum_hbm, stg_v)
    for j in range(nstripe):
        pltpu.sync_copy(stg_v, acc_shr.at[pl.ds(r0 + j * _WG, _WG)])
    plsc.subcore_barrier()

    def body(ri_v, val_v):
        pltpu.sync_copy(val_v, acc_shr.at[ri_v.at[0]], add=True)

    pltpu.emit_pipeline(
        body,
        grid=(ridx_hbm.shape[1] // _W,),
        in_specs=[pl.BlockSpec((1, _W), lambda i: (0, i)),
                  pl.BlockSpec((_W, _CH), lambda i: (i, 0))],
        out_specs=[],
        core_axis_name=("core", "subcore"),
        dimension_semantics=(pltpu.PARALLEL,),
    )(ridx_hbm, nout_hbm)

    plsc.subcore_barrier()
    for j in range(nstripe):
        pltpu.sync_copy(acc_shr.at[pl.ds(r0 + j * _WG, _WG)], stg_v)
        pltpu.sync_copy(stg_v, sums_hbm.at[cid, pl.ds(r0 + j * _WG, _WG)])


@jax.jit
def _sc_scatter_sums(nout, ridx, zsum):
    f = pl.kernel(
        _scatter_sums_body,
        out_type=jax.ShapeDtypeStruct((2, _NPAD, _CH), _F32),
        mesh=_vector_mesh,
        scratch_types=[pltpu.VMEM_SHARED((_NPAD, _CH), _F32),
                       pltpu.VMEM((_WG, _CH), _F32)],
    )
    return f(nout, ridx, zsum)


def _scatter_cnts_body(ridx_hbm, zcnt_hbm, ones_hbm, cnts_hbm,
                       cnt_shr, one_v):
    cid = lax.axis_index("core")
    sid = lax.axis_index("subcore")
    r0 = sid * _RPS
    nstripe = _RPS // _W

    pltpu.sync_copy(zcnt_hbm, one_v)
    for j in range(nstripe):
        pltpu.sync_copy(one_v, cnt_shr.at[pl.ds(r0 + j * _W, _W)])
    pltpu.sync_copy(ones_hbm, one_v)
    plsc.subcore_barrier()

    def body(ri_v):
        pltpu.sync_copy(one_v, cnt_shr.at[ri_v.at[0]], add=True)

    pltpu.emit_pipeline(
        body,
        grid=(_NCHUNK,),
        in_specs=[pl.BlockSpec((1, _W), lambda i: (0, i))],
        out_specs=[],
        core_axis_name=("core", "subcore"),
        dimension_semantics=(pltpu.PARALLEL,),
    )(ridx_hbm)

    plsc.subcore_barrier()
    for j in range(nstripe):
        pltpu.sync_copy(cnt_shr.at[pl.ds(r0 + j * _W, _W)], one_v)
        pltpu.sync_copy(one_v, cnts_hbm.at[cid, pl.ds(r0 + j * _W, _W)])


@jax.jit
def _sc_scatter_cnts(ridx, zcnt, ones):
    f = pl.kernel(
        _scatter_cnts_body,
        out_type=jax.ShapeDtypeStruct((2, _NPAD, _CH), _F32),
        mesh=_vector_mesh,
        scratch_types=[pltpu.VMEM_SHARED((_NPAD, _CH), _F32),
                       pltpu.VMEM((_W, _CH), _F32)],
    )
    return f(ridx, zcnt, ones)


def _fin_body(s_ref, c_ref, o_ref):
    s = s_ref[0, :_N, :] + s_ref[1, :_N, :]
    c = c_ref[0, :_N, 0:1] + c_ref[1, :_N, 0:1]
    o_ref[...] = s / jnp.maximum(c, 1.0)


@jax.jit
def _tc_finalize(sums, cnts):
    return pl.pallas_call(
        _fin_body,
        out_shape=jax.ShapeDtypeStruct((_N, _CH), _F32),
    )(sums, cnts)


def kernel(x, edge_index, edge_attr, We1, be1, We2, be2, Wn1, bn1, Wn2, bn2):
    idx = edge_index.astype(jnp.int32)
    ridx = idx[0].reshape(1, _E)
    cidx = idx[1].reshape(1, _E)

    wa, wb, wc = We1[:_CH], We1[_CH:2 * _CH], We1[2 * _CH:]
    wna, wnb = Wn1[:_CH], Wn1[_CH:]
    wargs = (wa, wb, wc, be1.reshape(1, _CH), We2, be2.reshape(1, _CH),
             wna, wnb, bn1.reshape(1, _CH), Wn2, bn2.reshape(1, _CH))

    zsum = jnp.zeros((_WG, _CH), _F32)
    zcnt = jnp.zeros((_W, _CH), _F32)
    ones = jnp.ones((_W, _CH), _F32)

    src, dst = _sc_gather(x, ridx, cidx)
    edge_new, n_out = _tc_edges(src, dst, edge_attr, *wargs)
    cnts = _sc_scatter_cnts(ridx, zcnt, ones)
    sums = _sc_scatter_sums(n_out, ridx, zsum)

    x_new = _tc_finalize(sums, cnts)
    return (x_new, edge_index, edge_new)

# --- scband reference (transcript-rebuilt; emitter-appended) ---
"""Pipeline reference for scband-meta-graph-mean-layer-38757784879145 (READ-ONLY COPY).

The authoritative reference and input builder live on the scoring server;
editing this copy changes nothing except your own understanding.
"""

import jax, jax.numpy as jnp
import numpy as np

N = 10000
E = 320000
CH = 128

def _lin_init(key, fan_in, fan_out):
    kw, kb = jax.random.split(key)
    bound = 1.0 / np.sqrt(fan_in)
    W = jax.random.uniform(kw, (fan_in, fan_out), minval=-bound, maxval=bound, dtype=jnp.float32)
    b = jax.random.uniform(kb, (fan_out,), minval=-bound, maxval=bound, dtype=jnp.float32)
    return W, b

def setup_inputs(seed: int = 0) -> dict:
    key = jax.random.key(seed)
    ks = jax.random.split(key, 8)
    x = jax.random.normal(ks[0], (N, CH), dtype=jnp.float32)
    edge_index = jax.random.randint(ks[1], (2, E), 0, N, dtype=jnp.int64)
    edge_attr = jax.random.normal(ks[2], (E, CH), dtype=jnp.float32)
    We1, be1 = _lin_init(ks[3], 3 * CH, CH)
    We2, be2 = _lin_init(ks[4], CH, CH)
    Wn1, bn1 = _lin_init(ks[5], 2 * CH, CH)
    Wn2, bn2 = _lin_init(ks[6], CH, CH)
    return {"x": x, "edge_index": edge_index, "edge_attr": edge_attr,
            "We1": We1, "be1": be1, "We2": We2, "be2": be2,
            "Wn1": Wn1, "bn1": bn1, "Wn2": Wn2, "bn2": bn2}

def reference(x, edge_index, edge_attr, We1, be1, We2, be2, Wn1, bn1, Wn2, bn2):
    row = edge_index[0]
    col = edge_index[1]
    # edge model: edge_mlp(cat([x[row], x[col], edge_attr]))
    src = jnp.take(x, row, axis=0)
    dst = jnp.take(x, col, axis=0)
    e_in = jnp.concatenate([src, dst, edge_attr], axis=1)
    e_h = jax.nn.relu(e_in @ We1 + be1)
    edge_new = e_h @ We2 + be2
    # node model: node_mlp(cat([x[col], edge_new])) then scatter_mean over row
    n_in = jnp.concatenate([dst, edge_new], axis=1)
    n_h = jax.nn.relu(n_in @ Wn1 + bn1)
    n_out = n_h @ Wn2 + bn2
    sums = jax.ops.segment_sum(n_out, row, num_segments=N)
    counts = jax.ops.segment_sum(jnp.ones((E,), dtype=jnp.float32), row, num_segments=N)
    x_new = sums / jnp.clip(counts, 1.0, None)[:, None]
    # u is None (global model returns None); edge_index passed through
    return (x_new, edge_index, edge_new)

if __name__ == "__main__":
    import jax
    _d = setup_inputs()
    print(jax.jit(kernel)(*tuple(_d.values())))

</pallas_src>

<mosaic_0001>
#map = affine_map<(d0, d1) -> (0, 0)>
module attributes {stable_mosaic.version = 14 : i64} {
  func.func @_gather_body(%arg0: i32, %arg1: i32, %arg2: memref<10000x128xf32, #tpu.memory_space<hbm>>, %arg3: memref<1x320000xi32, #tpu.memory_space<hbm>>, %arg4: memref<1x320000xi32, #tpu.memory_space<hbm>>, %arg5: memref<320000x128xf32, #tpu.memory_space<hbm>>, %arg6: memref<320000x128xf32, #tpu.memory_space<hbm>>, %arg7: memref<!tpu.dma_semaphore, #tpu.memory_space<semaphore_mem>>, %arg8: memref<!tpu.dma_semaphore, #tpu.memory_space<semaphore_mem>>) attributes {dimension_semantics = [#tpu.dimension_semantics<core_parallel>, #tpu.dimension_semantics<subcore_parallel>], iteration_bounds = array<i64: 2, 16>, scalar_prefetch = 0 : i64, scratch_operands = 2 : i64, tpu.core_type = #tpu.core_type<sc_vector_subcore>, window_params = [{transform_indices = #map}, {transform_indices = #map}, {transform_indices = #map}, {transform_indices = #map}, {transform_indices = #map}]} {
    %mul3A = arith.constant 1 : i32
    %mul3A_0 = arith.muli %arg1, %mul3A : i32
    %add3A = arith.constant 0 : i32
    %add3A_1 = arith.addi %add3A, %mul3A_0 : i32
    %mul3A_2 = arith.constant 16 : i32
    %mul3A_3 = arith.muli %arg0, %mul3A_2 : i32
    %add3A_4 = arith.addi %add3A_1, %mul3A_3 : i32
    %lt3A = arith.constant 4 : i32
    %lt3A_5 = arith.cmpi slt, %add3A_4, %lt3A : i32
    %jit3A = arith.constant 79 : i32
    %jit3A_6 = arith.constant 78 : i32
    %select_n3A = arith.select %lt3A_5, %jit3A, %jit3A_6 : i32
    %lt3A_7 = arith.constant 4 : i32
    %lt3A_8 = arith.cmpi slt, %add3A_4, %lt3A_7 : i32
    %mul3A_9 = arith.muli %add3A_4, %select_n3A : i32
    %mul3A_10 = arith.constant 78 : i32
    %mul3A_11 = arith.muli %add3A_4, %mul3A_10 : i32
    %add3A_12 = arith.constant 4 : i32
    %add3A_13 = arith.addi %mul3A_11, %add3A_12 : i32
    %select_n3A_14 = arith.select %lt3A_8, %mul3A_9, %add3A_13 : i32
    %mul3A_15 = arith.constant 1 : i32
    %mul3A_16 = arith.muli %mul3A_15, %select_n3A : i32
    "tpu.region"() ({
      %run_scoped3A = memref.alloca() : memref<2x1x128xi32, #tpu.memory_space<vmem>>
      %run_scoped3A_17 = tpu.sem_alloc : memref<2x!tpu.dma_semaphore, #tpu.memory_space<semaphore_mem>>
      %run_scoped3A_18 = memref.alloca() : memref<2x1x128xi32, #tpu.memory_space<vmem>>
      %run_scoped3A_19 = tpu.sem_alloc : memref<2x!tpu.dma_semaphore, #tpu.memory_space<semaphore_mem>>
      %run_scoped3A_20 = memref.alloca() : memref<2x128x128xf32, #tpu.memory_space<vmem>>
      %run_scoped3A_21 = tpu.sem_alloc : memref<2x!tpu.dma_semaphore, #tpu.memory_space<semaphore_mem>>
      %run_scoped3A_22 = memref.alloca() : memref<2x128x128xf32, #tpu.memory_space<vmem>>
      %run_scoped3A_23 = tpu.sem_alloc : memref<2x!tpu.dma_semaphore, #tpu.memory_space<semaphore_mem>>
      %gt3A = arith.constant 0 : i32
      %gt3A_24 = arith.cmpi sgt, %mul3A_16, %gt3A : i32
      %convert_element_type3A = arith.extui %gt3A_24 : i1 to i32
      %cond3A = arith.constant 0 : i32
      %cond3A_25 = arith.cmpi ne, %convert_element_type3A, %cond3A : i32
      scf.if %cond3A_25 {
        %mul3A_26 = arith.constant 1 : i32
        %mul3A_27 = arith.muli %mul3A_26, %select_n3A : i32
        %sub3A = arith.constant 1 : i32
        %sub3A_28 = arith.subi %mul3A_27, %sub3A : i32
        %eq3A = arith.constant 0 : i32
        %eq3A_29 = arith.cmpi eq, %sub3A_28, %eq3A : i32
        %add3A_30 = arith.constant 0 : i32
        %add3A_31 = arith.addi %add3A_30, %select_n3A_14 : i32
        %select_n3A_32 = arith.constant true
        %select_n3A_33 = arith.constant 0 : i32
        %select_n3A_34 = arith.constant -1 : i32
        %select_n3A_35 = arith.select %select_n3A_32, %select_n3A_34, %select_n3A_33 : i32
        %eq3A_36 = arith.constant -1 : i32
        %eq3A_37 = arith.cmpi eq, %select_n3A_35, %eq3A_36 : i32
        %sub3A_38 = arith.constant 1 : i32
        %sub3A_39 = arith.subi %select_n3A, %sub3A_38 : i32
        %select_n3A_40 = arith.select %eq3A_37, %sub3A_39, %select_n3A_35 : i32
        %add3A_41 = arith.addi %select_n3A_40, %select_n3A_14 : i32
        %select_n3A_42 = arith.constant true
        %select_n3A_43 = arith.constant 0 : i32
        %select_n3A_44 = arith.constant 1 : i32
        %select_n3A_45 = arith.select %select_n3A_42, %select_n3A_44, %select_n3A_43 : i32
        %eq3A_46 = arith.cmpi eq, %select_n3A_45, %select_n3A : i32
        %select_n3A_47 = arith.constant 0 : i32
        %select_n3A_48 = arith.select %eq3A_46, %select_n3A_47, %select_n3A_45 : i32
        %add3A_49 = arith.addi %select_n3A_48, %select_n3A_14 : i32
        %add3A_50 = arith.constant 1 : i32
        %add3A_51 = arith.addi %select_n3A_48, %add3A_50 : i32
        %select_n3A_52 = arith.constant true
        %select_n3A_53 = arith.select %select_n3A_52, %add3A_51, %select_n3A_48 : i32
        %eq3A_54 = arith.cmpi eq, %select_n3A_53, %select_n3A : i32
        %select_n3A_55 = arith.constant 0 : i32
        %select_n3A_56 = arith.select %eq3A_54, %select_n3A_55, %select_n3A_53 : i32
        %add3A_57 = arith.addi %select_n3A_56, %select_n3A_14 : i32
        "tpu.trace_start"() <{level = 10 : i32, message = "ep_initialize_0"}> : () -> ()
        %rem3A = arith.constant 0 : i32
        %rem3A_58 = arith.constant 2 : i32
        %rem3A_59 = arith.remui %rem3A, %rem3A_58 : i32
        %mul3A_60 = arith.constant 128 : i32
        %mul3A_61 = arith.muli %mul3A_60, %add3A_31 : i32
        %dma_start3A = arith.constant 0 : i32
        %dma_start3A_62 = arith.constant 0 : i32
        %dma_start3A_63 = tpu.memref_slice %run_scoped3A[%rem3A_59, %dma_start3A, %dma_start3A_62] : memref<2x1x128xi32, #tpu.memory_space<vmem>> -> memref<1x1x128xi32, #tpu.memory_space<vmem>>
        %dma_start3A_64 = tpu.memref_squeeze %dma_start3A_63 : memref<1x1x128xi32, #tpu.memory_space<vmem>> -> memref<1x128xi32, #tpu.memory_space<vmem>>
        %dma_start3A_65 = arith.constant 0 : i32
        %dma_start3A_66 = tpu.memref_slice %arg3[%dma_start3A_65, %mul3A_61] : memref<1x320000xi32, #tpu.memory_space<hbm>> -> memref<1x128xi32, #tpu.memory_space<hbm>>
        %dma_start3A_67 = tpu.memref_slice %run_scoped3A_17[%rem3A_59] : memref<2x!tpu.dma_semaphore, #tpu.memory_space<semaphore_mem>> -> memref<1x!tpu.dma_semaphore, #tpu.memory_space<semaphore_mem>>
        %dma_start3A_68 = tpu.memref_squeeze %dma_start3A_67 : memref<1x!tpu.dma_semaphore, #tpu.memory_space<semaphore_mem>> -> memref<!tpu.dma_semaphore, #tpu.memory_space<semaphore_mem>>
        %dma_start3A_69 = arith.constant 0 : i32
        %dma_start3A_70 = arith.constant 0 : i32
        %dma_start3A_71 = tpu.memref_slice %run_scoped3A[%rem3A_59, %dma_start3A_69, %dma_start3A_70] : memref<2x1x128xi32, #tpu.memory_space<vmem>> -> memref<1x1x128xi32, #tpu.memory_space<vmem>>
        %dma_start3A_72 = tpu.memref_squeeze %dma_start3A_71 : memref<1x1x128xi32, #tpu.memory_space<vmem>> -> memref<1x128xi32, #tpu.memory_space<vmem>>
        %dma_start3A_73 = arith.constant 0 : i32
        %dma_start3A_74 = tpu.memref_slice %arg3[%dma_start3A_73, %mul3A_61] : memref<1x320000xi32, #tpu.memory_space<hbm>> -> memref<1x128xi32, #tpu.memory_space<hbm>>
        tpu.enqueue_dma source(%dma_start3A_74 : memref<1x128xi32, #tpu.memory_space<hbm>>) target(%dma_start3A_72 : memref<1x128xi32, #tpu.memory_space<vmem>>) target_semaphore(%dma_start3A_68 : memref<!tpu.dma_semaphore, #tpu.memory_space<semaphore_mem>>)
        %add3A_75 = arith.constant 0 : i32
        %add3A_76 = arith.constant 1 : i32
        %add3A_77 = arith.addi %add3A_75, %add3A_76 : i32
        %select_n3A_78 = arith.constant true
        %select_n3A_79 = arith.constant 0 : i32
        %select_n3A_80 = arith.select %select_n3A_78, %add3A_77, %select_n3A_79 : i32
        %rem3A_81 = arith.constant 0 : i32
        %rem3A_82 = arith.constant 2 : i32
        %rem3A_83 = arith.remui %rem3A_81, %rem3A_82 : i32
        %mul3A_84 = arith.constant 128 : i32
        %mul3A_85 = arith.muli %mul3A_84, %add3A_31 : i32
        %dma_start3A_86 = arith.constant 0 : i32
        %dma_start3A_87 = arith.constant 0 : i32
        %dma_start3A_88 = tpu.memref_slice %run_scoped3A_18[%rem3A_83, %dma_start3A_86, %dma_start3A_87] : memref<2x1x128xi32, #tpu.memory_space<vmem>> -> memref<1x1x128xi32, #tpu.memory_space<vmem>>
        %dma_start3A_89 = tpu.memref_squeeze %dma_start3A_88 : memref<1x1x128xi32, #tpu.memory_space<vmem>> -> memref<1x128xi32, #tpu.memory_space<vmem>>
        %dma_start3A_90 = arith.constant 0 : i32
        %dma_start3A_91 = tpu.memref_slice %arg4[%dma_start3A_90, %mul3A_85] : memref<1x320000xi32, #tpu.memory_space<hbm>> -> memref<1x128xi32, #tpu.memory_space<hbm>>
        %dma_start3A_92 = tpu.memref_slice %run_scoped3A_19[%rem3A_83] : memref<2x!tpu.dma_semaphore, #tpu.memory_space<semaphore_mem>> -> memref<1x!tpu.dma_semaphore, #tpu.memory_space<semaphore_mem>>
        %dma_start3A_93 = tpu.memref_squeeze %dma_start3A_92 : memref<1x!tpu.dma_semaphore, #tpu.memory_space<semaphore_mem>> -> memref<!tpu.dma_semaphore, #tpu.memory_space<semaphore_mem>>
        %dma_start3A_94 = arith.constant 0 : i32
        %dma_start3A_95 = arith.constant 0 : i32
        %dma_start3A_96 = tpu.memref_slice %run_scoped3A_18[%rem3A_83, %dma_start3A_94, %dma_start3A_95] : memref<2x1x128xi32, #tpu.memory_space<vmem>> -> memref<1x1x128xi32, #tpu.memory_space<vmem>>
        %dma_start3A_97 = tpu.memref_squeeze %dma_start3A_96 : memref<1x1x128xi32, #tpu.memory_space<vmem>> -> memref<1x128xi32, #tpu.memory_space<vmem>>
        %dma_start3A_98 = arith.constant 0 : i32
        %dma_start3A_99 = tpu.memref_slice %arg4[%dma_start3A_98, %mul3A_85] : memref<1x320000xi32, #tpu.memory_space<hbm>> -> memref<1x128xi32, #tpu.memory_space<hbm>>
        tpu.enqueue_dma source(%dma_start3A_99 : memref<1x128xi32, #tpu.memory_space<hbm>>) target(%dma_start3A_97 : memref<1x128xi32, #tpu.memory_space<vmem>>) target_semaphore(%dma_start3A_93 : memref<!tpu.dma_semaphore, #tpu.memory_space<semaphore_mem>>)
        %add3A_100 = arith.constant 0 : i32
        %add3A_101 = arith.constant 1 : i32
        %add3A_102 = arith.addi %add3A_100, %add3A_101 : i32
        %select_n3A_103 = arith.constant true
        %select_n3A_104 = arith.constant 0 : i32
        %select_n3A_105 = arith.select %select_n3A_103, %add3A_102, %select_n3A_104 : i32
        %while3A = arith.constant 0 : i32
        %while3A_106 = arith.constant 0 : i32
        %while3A_107 = arith.constant 0 : i32
        %while3A_108 = arith.constant 0 : i32
        %while3A_109 = arith.constant 0 : i32
        %while3A_110 = arith.constant 0 : i32
        %while3A_111 = arith.constant 0 : i32
        %while3A_112 = arith.constant 0 : i32
        "tpu.trace_stop"() : () -> ()
        %while3A_113 = arith.subi %mul3A_16, %while3A : i32
        %while3A_114 = arith.addi %while3A, %while3A_113 : i32
        %while3A_115 = arith.constant 1 : i32
        %while3A_116 = arith.divsi %while3A_113, %while3A_115 : i32
        %while3A_117 = arith.muli %while3A_116, %while3A_115 : i32
        %while3A_118 = arith.addi %while3A, %while3A_117 : i32
        %while3A_119 = arith.constant 1 : i32
        %while3A_120:9 = scf.for %while3A_180 = %while3A to %while3A_118 step %while3A_119 iter_args(%while3A_181 = %select_n3A_80, %while3A_182 = %while3A_106, %while3A_183 = %select_n3A_105, %while3A_184 = %while3A_107, %while3A_185 = %while3A_108, %while3A_186 = %while3A_109, %while3A_187 = %while3A_110, %while3A_188 = %while3A_111, %while3A_189 = %while3A_112) -> (i32, i32, i32, i32, i32, i32, i32, i32, i32)  : i32 {
          %mul3A_190 = arith.constant 1 : i32
          %mul3A_191 = arith.muli %mul3A_190, %select_n3A : i32
          %eq3A_192 = arith.constant 0 : i32
          %eq3A_193 = arith.cmpi eq, %while3A_180, %eq3A_192 : i32
          %sub3A_194 = arith.constant 1 : i32
          %sub3A_195 = arith.subi %mul3A_191, %sub3A_194 : i32
          %eq3A_196 = arith.cmpi eq, %while3A_180, %sub3A_195 : i32
          %add3A_197 = arith.addi %while3A_189, %select_n3A_14 : i32
          %sub3A_198 = arith.constant 1 : i32
          %sub3A_199 = arith.subi %while3A_189, %sub3A_198 : i32
          %select_n3A_200 = arith.constant true
          %select_n3A_201 = arith.select %select_n3A_200, %sub3A_199, %while3A_189 : i32
          %eq3A_202 = arith.constant -1 : i32
          %eq3A_203 = arith.cmpi eq, %select_n3A_201, %eq3A_202 : i32
          %sub3A_204 = arith.constant 1 : i32
          %sub3A_205 = arith.subi %select_n3A, %sub3A_204 : i32
          %select_n3A_206 = arith.select %eq3A_203, %sub3A_205, %select_n3A_201 : i32
          %add3A_207 = arith.addi %select_n3A_206, %select_n3A_14 : i32
          %add3A_208 = arith.constant 1 : i32
          %add3A_209 = arith.addi %while3A_189, %add3A_208 : i32
          %select_n3A_210 = arith.constant true
          %select_n3A_211 = arith.select %select_n3A_210, %add3A_209, %while3A_189 : i32
          %eq3A_212 = arith.cmpi eq, %select_n3A_211, %select_n3A : i32
          %select_n3A_213 = arith.constant 0 : i32
          %select_n3A_214 = arith.select %eq3A_212, %select_n3A_213, %select_n3A_211 : i32
          %add3A_215 = arith.addi %select_n3A_214, %select_n3A_14 : i32
          %add3A_216 = arith.constant 1 : i32
          %add3A_217 = arith.addi %select_n3A_214, %add3A_216 : i32
          %select_n3A_218 = arith.constant true
          %select_n3A_219 = arith.select %select_n3A_218, %add3A_217, %select_n3A_214 : i32
          %eq3A_220 = arith.cmpi eq, %select_n3A_219, %select_n3A : i32
          %select_n3A_221 = arith.constant 0 : i32
          %select_n3A_222 = arith.select %eq3A_220, %select_n3A_221, %select_n3A_219 : i32
          %add3A_223 = arith.addi %select_n3A_222, %select_n3A_14 : i32
          %ne3A = arith.cmpi ne, %add3A_197, %add3A_215 : i32
          %or3A = arith.constant false
          %or3A_224 = arith.ori %or3A, %ne3A : i1
          %sub3A_225 = arith.constant 2 : i32
          %sub3A_226 = arith.subi %mul3A_191, %sub3A_225 : i32
          %add3A_227 = arith.constant 1 : i32
          %add3A_228 = arith.addi %sub3A_226, %add3A_227 : i32
          %ge3A = arith.cmpi sge, %while3A_180, %add3A_228 : i32
          %not3A = arith.constant true
          %not3A_229 = arith.xori %ge3A, %not3A : i1
          %and3A = arith.andi %or3A_224, %not3A_229 : i1
          %convert_element_type3A_230 = arith.extui %and3A : i1 to i32
          %cond3A_231 = arith.constant 0 : i32
          %cond3A_232 = arith.cmpi ne, %convert_element_type3A_230, %cond3A_231 : i32
          scf.if %cond3A_232 {
            "tpu.trace_start"() <{level = 10 : i32, message = "ep_copy_in"}> : () -> ()
            %rem3A_503 = arith.constant 2 : i32
            %rem3A_504 = arith.remui %while3A_181, %rem3A_503 : i32
            %mul3A_505 = arith.constant 128 : i32
            %mul3A_506 = arith.muli %mul3A_505, %add3A_215 : i32
            %dma_start3A_507 = arith.constant 0 : i32
            %dma_start3A_508 = arith.constant 0 : i32
            %dma_start3A_509 = tpu.memref_slice %run_scoped3A[%rem3A_504, %dma_start3A_507, %dma_start3A_508] : memref<2x1x128xi32, #tpu.memory_space<vmem>> -> memref<1x1x128xi32, #tpu.memory_space<vmem>>
            %dma_start3A_510 = tpu.memref_squeeze %dma_start3A_509 : memref<1x1x128xi32, #tpu.memory_space<vmem>> -> memref<1x128xi32, #tpu.memory_space<vmem>>
            %dma_start3A_511 = arith.constant 0 : i32
            %dma_start3A_512 = tpu.memref_slice %arg3[%dma_start3A_511, %mul3A_506] : memref<1x320000xi32, #tpu.memory_space<hbm>> -> memref<1x128xi32, #tpu.memory_space<hbm>>
            %dma_start3A_513 = tpu.memref_slice %run_scoped3A_17[%rem3A_504] : memref<2x!tpu.dma_semaphore, #tpu.memory_space<semaphore_mem>> -> memref<1x!tpu.dma_semaphore, #tpu.memory_space<semaphore_mem>>
            %dma_start3A_514 = tpu.memref_squeeze %dma_start3A_513 : memref<1x!tpu.dma_semaphore, #tpu.memory_space<semaphore_mem>> -> memref<!tpu.dma_semaphore, #tpu.memory_space<semaphore_mem>>
            %dma_start3A_515 = arith.constant 0 : i32
            %dma_start3A_516 = arith.constant 0 : i32
            %dma_start3A_517 = tpu.memref_slice %run_scoped3A[%rem3A_504, %dma_start3A_515, %dma_start3A_516] : memref<2x1x128xi32, #tpu.memory_space<vmem>> -> memref<1x1x128xi32, #tpu.memory_space<vmem>>
            %dma_start3A_518 = tpu.memref_squeeze %dma_start3A_517 : memref<1x1x128xi32, #tpu.memory_space<vmem>> -> memref<1x128xi32, #tpu.memory_space<vmem>>
            %dma_start3A_519 = arith.constant 0 : i32
            %dma_start3A_520 = tpu.memref_slice %arg3[%dma_start3A_519, %mul3A_506] : memref<1x320000xi32, #tpu.memory_space<hbm>> -> memref<1x128xi32, #tpu.memory_space<hbm>>
            tpu.enqueue_dma source(%dma_start3A_520 : memref<1x128xi32, #tpu.memory_space<hbm>>) target(%dma_start3A_518 : memref<1x128xi32, #tpu.memory_space<vmem>>) target_semaphore(%dma_start3A_514 : memref<!tpu.dma_semaphore, #tpu.memory_space<semaphore_mem>>)
            "tpu.trace_stop"() : () -> ()
          } else {
          }
          %and3A_233 = arith.constant true
          %and3A_234 = arith.andi %and3A, %and3A_233 : i1
          %add3A_235 = arith.constant 1 : i32
          %add3A_236 = arith.addi %while3A_181, %add3A_235 : i32
          %select_n3A_237 = arith.select %and3A_234, %add3A_236, %while3A_181 : i32
          %ne3A_238 = arith.cmpi ne, %add3A_197, %add3A_215 : i32
          %or3A_239 = arith.constant false
          %or3A_240 = arith.ori %or3A_239, %ne3A_238 : i1
          %sub3A_241 = arith.constant 2 : i32
          %sub3A_242 = arith.subi %mul3A_191, %sub3A_241 : i32
          %add3A_243 = arith.constant 1 : i32
          %add3A_244 = arith.addi %sub3A_242, %add3A_243 : i32
          %ge3A_245 = arith.cmpi sge, %while3A_180, %add3A_244 : i32
          %not3A_246 = arith.constant true
          %not3A_247 = arith.xori %ge3A_245, %not3A_246 : i1
          %and3A_248 = arith.andi %or3A_240, %not3A_247 : i1
          %convert_element_type3A_249 = arith.extui %and3A_248 : i1 to i32
          %cond3A_250 = arith.constant 0 : i32
          %cond3A_251 = arith.cmpi ne, %convert_element_type3A_249, %cond3A_250 : i32
          scf.if %cond3A_251 {
            "tpu.trace_start"() <{level = 10 : i32, message = "ep_copy_in"}> : () -> ()
            %rem3A_503 = arith.constant 2 : i32
            %rem3A_504 = arith.remui %while3A_183, %rem3A_503 : i32
            %mul3A_505 = arith.constant 128 : i32
            %mul3A_506 = arith.muli %mul3A_505, %add3A_215 : i32
            %dma_start3A_507 = arith.constant 0 : i32
            %dma_start3A_508 = arith.constant 0 : i32
            %dma_start3A_509 = tpu.memref_slice %run_scoped3A_18[%rem3A_504, %dma_start3A_507, %dma_start3A_508] : memref<2x1x128xi32, #tpu.memory_space<vmem>> -> memref<1x1x128xi32, #tpu.memory_space<vmem>>
            %dma_start3A_510 = tpu.memref_squeeze %dma_start3A_509 : memref<1x1x128xi32, #tpu.memory_space<vmem>> -> memref<1x128xi32, #tpu.memory_space<vmem>>
            %dma_start3A_511 = arith.constant 0 : i32
            %dma_start3A_512 = tpu.memref_slice %arg4[%dma_start3A_511, %mul3A_506] : memref<1x320000xi32, #tpu.memory_space<hbm>> -> memref<1x128xi32, #tpu.memory_space<hbm>>
            %dma_start3A_513 = tpu.memref_slice %run_scoped3A_19[%rem3A_504] : memref<2x!tpu.dma_semaphore, #tpu.memory_space<semaphore_mem>> -> memref<1x!tpu.dma_semaphore, #tpu.memory_space<semaphore_mem>>
            %dma_start3A_514 = tpu.memref_squeeze %dma_start3A_513 : memref<1x!tpu.dma_semaphore, #tpu.memory_space<semaphore_mem>> -> memref<!tpu.dma_semaphore, #tpu.memory_space<semaphore_mem>>
            %dma_start3A_515 = arith.constant 0 : i32
            %dma_start3A_516 = arith.constant 0 : i32
            %dma_start3A_517 = tpu.memref_slice %run_scoped3A_18[%rem3A_504, %dma_start3A_515, %dma_start3A_516] : memref<2x1x128xi32, #tpu.memory_space<vmem>> -> memref<1x1x128xi32, #tpu.memory_space<vmem>>
            %dma_start3A_518 = tpu.memref_squeeze %dma_start3A_517 : memref<1x1x128xi32, #tpu.memory_space<vmem>> -> memref<1x128xi32, #tpu.memory_space<vmem>>
            %dma_start3A_519 = arith.constant 0 : i32
            %dma_start3A_520 = tpu.memref_slice %arg4[%dma_start3A_519, %mul3A_506] : memref<1x320000xi32, #tpu.memory_space<hbm>> -> memref<1x128xi32, #tpu.memory_space<hbm>>
            tpu.enqueue_dma source(%dma_start3A_520 : memref<1x128xi32, #tpu.memory_space<hbm>>) target(%dma_start3A_518 : memref<1x128xi32, #tpu.memory_space<vmem>>) target_semaphore(%dma_start3A_514 : memref<!tpu.dma_semaphore, #tpu.memory_space<semaphore_mem>>)
            "tpu.trace_stop"() : () -> ()
          } else {
          }
          %and3A_252 = arith.constant true
          %and3A_253 = arith.andi %and3A_248, %and3A_252 : i1
          %add3A_254 = arith.constant 1 : i32
          %add3A_255 = arith.addi %while3A_183, %add3A_254 : i32
          %select_n3A_256 = arith.select %and3A_253, %add3A_255, %while3A_183 : i32
          %ne3A_257 = arith.cmpi ne, %add3A_197, %add3A_215 : i32
          %or3A_258 = arith.constant false
          %or3A_259 = arith.ori %or3A_258, %ne3A_257 : i1
          %or3A_260 = arith.constant false
          %or3A_261 = arith.ori %or3A_259, %or3A_260 : i1
          %sub3A_262 = arith.constant 2 : i32
          %sub3A_263 = arith.subi %mul3A_191, %sub3A_262 : i32
          %add3A_264 = arith.constant 1 : i32
          %add3A_265 = arith.addi %sub3A_263, %add3A_264 : i32
          %ge3A_266 = arith.cmpi sge, %while3A_180, %add3A_265 : i32
          %not3A_267 = arith.constant true
          %not3A_268 = arith.xori %ge3A_266, %not3A_267 : i1
          %and3A_269 = arith.andi %or3A_261, %not3A_268 : i1
          %ne3A_270 = arith.cmpi ne, %add3A_197, %add3A_215 : i32
          %or3A_271 = arith.constant false
          %or3A_272 = arith.ori %or3A_271, %ne3A_270 : i1
          %or3A_273 = arith.constant false
          %or3A_274 = arith.ori %or3A_272, %or3A_273 : i1
          %sub3A_275 = arith.constant 2 : i32
          %sub3A_276 = arith.subi %mul3A_191, %sub3A_275 : i32
          %add3A_277 = arith.constant 1 : i32
          %add3A_278 = arith.addi %sub3A_276, %add3A_277 : i32
          %ge3A_279 = arith.cmpi sge, %while3A_180, %add3A_278 : i32
          %not3A_280 = arith.constant true
          %not3A_281 = arith.xori %ge3A_279, %not3A_280 : i1
          %and3A_282 = arith.andi %or3A_274, %not3A_281 : i1
          %ne3A_283 = arith.cmpi ne, %add3A_197, %add3A_207 : i32
          %or3A_284 = arith.constant false
          %or3A_285 = arith.ori %or3A_284, %ne3A_283 : i1
          %or3A_286 = arith.ori %or3A_285, %eq3A_193 : i1
          %convert_element_type3A_287 = arith.extui %or3A_286 : i1 to i32
          %cond3A_288 = arith.constant 0 : i32
          %cond3A_289 = arith.cmpi ne, %convert_element_type3A_287, %cond3A_288 : i32
          scf.if %cond3A_289 {
            "tpu.trace_start"() <{level = 10 : i32, message = "ep_wait_in"}> : () -> ()
            %mul3A_503 = arith.constant 128 : i32
            %mul3A_504 = arith.muli %mul3A_503, %add3A_197 : i32
            %rem3A_505 = arith.constant 2 : i32
            %rem3A_506 = arith.remui %while3A_182, %rem3A_505 : i32
            %dma_wait3A_507 = arith.constant 0 : i32
            %dma_wait3A_508 = arith.constant 0 : i32
            %dma_wait3A_509 = tpu.memref_slice %run_scoped3A[%rem3A_506, %dma_wait3A_507, %dma_wait3A_508] : memref<2x1x128xi32, #tpu.memory_space<vmem>> -> memref<1x1x128xi32, #tpu.memory_space<vmem>>
            %dma_wait3A_510 = tpu.memref_squeeze %dma_wait3A_509 : memref<1x1x128xi32, #tpu.memory_space<vmem>> -> memref<1x128xi32, #tpu.memory_space<vmem>>
            %dma_wait3A_511 = arith.constant 0 : i32
            %dma_wait3A_512 = tpu.memref_slice %arg3[%dma_wait3A_511, %mul3A_504] : memref<1x320000xi32, #tpu.memory_space<hbm>> -> memref<1x128xi32, #tpu.memory_space<hbm>>
            %dma_wait3A_513 = tpu.memref_slice %run_scoped3A_17[%rem3A_506] : memref<2x!tpu.dma_semaphore, #tpu.memory_space<semaphore_mem>> -> memref<1x!tpu.dma_semaphore, #tpu.memory_space<semaphore_mem>>
            %dma_wait3A_514 = tpu.memref_squeeze %dma_wait3A_513 : memref<1x!tpu.dma_semaphore, #tpu.memory_space<semaphore_mem>> -> memref<!tpu.dma_semaphore, #tpu.memory_space<semaphore_mem>>
            %dma_wait3A_515 = arith.constant 0 : i32
            %dma_wait3A_516 = arith.constant 0 : i32
            %dma_wait3A_517 = tpu.memref_slice %run_scoped3A[%rem3A_506, %dma_wait3A_515, %dma_wait3A_516] : memref<2x1x128xi32, #tpu.memory_space<vmem>> -> memref<1x1x128xi32, #tpu.memory_space<vmem>>
            %dma_wait3A_518 = tpu.memref_squeeze %dma_wait3A_517 : memref<1x1x128xi32, #tpu.memory_space<vmem>> -> memref<1x128xi32, #tpu.memory_space<vmem>>
            %dma_wait3A_519 = arith.constant 0 : i32
            %dma_wait3A_520 = tpu.memref_slice %arg3[%dma_wait3A_519, %mul3A_504] : memref<1x320000xi32, #tpu.memory_space<hbm>> -> memref<1x128xi32, #tpu.memory_space<hbm>>
            tpu.wait_dma2 semaphore(%dma_wait3A_514 : memref<!tpu.dma_semaphore, #tpu.memory_space<semaphore_mem>>) src(%dma_wait3A_520 : memref<1x128xi32, #tpu.memory_space<hbm>>) dst(%dma_wait3A_518 : memref<1x128xi32, #tpu.memory_space<vmem>>)
            "tpu.trace_stop"() : () -> ()
          } else {
          }
          %ne3A_290 = arith.cmpi ne, %add3A_197, %add3A_207 : i32
          %or3A_291 = arith.constant false
          %or3A_292 = arith.ori %or3A_291, %ne3A_290 : i1
          %or3A_293 = arith.ori %or3A_292, %eq3A_193 : i1
          %convert_element_type3A_294 = arith.extui %or3A_293 : i1 to i32
          %cond3A_295 = arith.constant 0 : i32
          %cond3A_296 = arith.cmpi ne, %convert_element_type3A_294, %cond3A_295 : i32
          scf.if %cond3A_296 {
            "tpu.trace_start"() <{level = 10 : i32, message = "ep_wait_in"}> : () -> ()
            %mul3A_503 = arith.constant 128 : i32
            %mul3A_504 = arith.muli %mul3A_503, %add3A_197 : i32
            %rem3A_505 = arith.constant 2 : i32
            %rem3A_506 = arith.remui %while3A_184, %rem3A_505 : i32
            %dma_wait3A_507 = arith.constant 0 : i32
            %dma_wait3A_508 = arith.constant 0 : i32
            %dma_wait3A_509 = tpu.memref_slice %run_scoped3A_18[%rem3A_506, %dma_wait3A_507, %dma_wait3A_508] : memref<2x1x128xi32, #tpu.memory_space<vmem>> -> memref<1x1x128xi32, #tpu.memory_space<vmem>>
            %dma_wait3A_510 = tpu.memref_squeeze %dma_wait3A_509 : memref<1x1x128xi32, #tpu.memory_space<vmem>> -> memref<1x128xi32, #tpu.memory_space<vmem>>
            %dma_wait3A_511 = arith.constant 0 : i32
            %dma_wait3A_512 = tpu.memref_slice %arg4[%dma_wait3A_511, %mul3A_504] : memref<1x320000xi32, #tpu.memory_space<hbm>> -> memref<1x128xi32, #tpu.memory_space<hbm>>
            %dma_wait3A_513 = tpu.memref_slice %run_scoped3A_19[%rem3A_506] : memref<2x!tpu.dma_semaphore, #tpu.memory_space<semaphore_mem>> -> memref<1x!tpu.dma_semaphore, #tpu.memory_space<semaphore_mem>>
            %dma_wait3A_514 = tpu.memref_squeeze %dma_wait3A_513 : memref<1x!tpu.dma_semaphore, #tpu.memory_space<semaphore_mem>> -> memref<!tpu.dma_semaphore, #tpu.memory_space<semaphore_mem>>
            %dma_wait3A_515 = arith.constant 0 : i32
            %dma_wait3A_516 = arith.constant 0 : i32
            %dma_wait3A_517 = tpu.memref_slice %run_scoped3A_18[%rem3A_506, %dma_wait3A_515, %dma_wait3A_516] : memref<2x1x128xi32, #tpu.memory_space<vmem>> -> memref<1x1x128xi32, #tpu.memory_space<vmem>>
            %dma_wait3A_518 = tpu.memref_squeeze %dma_wait3A_517 : memref<1x1x128xi32, #tpu.memory_space<vmem>> -> memref<1x128xi32, #tpu.memory_space<vmem>>
            %dma_wait3A_519 = arith.constant 0 : i32
            %dma_wait3A_520 = tpu.memref_slice %arg4[%dma_wait3A_519, %mul3A_504] : memref<1x320000xi32, #tpu.memory_space<hbm>> -> memref<1x128xi32, #tpu.memory_space<hbm>>
            tpu.wait_dma2 semaphore(%dma_wait3A_514 : memref<!tpu.dma_semaphore, #tpu.memory_space<semaphore_mem>>) src(%dma_wait3A_520 : memref<1x128xi32, #tpu.memory_space<hbm>>) dst(%dma_wait3A_518 : memref<1x128xi32, #tpu.memory_space<vmem>>)
            "tpu.trace_stop"() : () -> ()
          } else {
          }
          %ne3A_297 = arith.cmpi ne, %add3A_197, %add3A_207 : i32
          %or3A_298 = arith.constant false
          %or3A_299 = arith.ori %or3A_298, %ne3A_297 : i1
          %or3A_300 = arith.constant false
          %or3A_301 = arith.ori %or3A_299, %or3A_300 : i1
          %or3A_302 = arith.ori %or3A_301, %eq3A_193 : i1
          %convert_element_type3A_303 = arith.extui %or3A_302 : i1 to i32
          %cond3A_304 = arith.constant 0 : i32
          %cond3A_305 = arith.cmpi ne, %convert_element_type3A_303, %cond3A_304 : i32
          scf.if %cond3A_305 {
          } else {
          }
          %ne3A_306 = arith.cmpi ne, %add3A_197, %add3A_207 : i32
          %or3A_307 = arith.constant false
          %or3A_308 = arith.ori %or3A_307, %ne3A_306 : i1
          %or3A_309 = arith.constant false
          %or3A_310 = arith.ori %or3A_308, %or3A_309 : i1
          %or3A_311 = arith.ori %or3A_310, %eq3A_193 : i1
          %convert_element_type3A_312 = arith.extui %or3A_311 : i1 to i32
          %cond3A_313 = arith.constant 0 : i32
          %cond3A_314 = arith.cmpi ne, %convert_element_type3A_312, %cond3A_313 : i32
          scf.if %cond3A_314 {
          } else {
          }
          %rem3A_315 = arith.constant 2 : i32
          %rem3A_316 = arith.remui %while3A_182, %rem3A_315 : i32
          %rem3A_317 = arith.constant 2 : i32
          %rem3A_318 = arith.remui %while3A_184, %rem3A_317 : i32
          %rem3A_319 = arith.constant 2 : i32
          %rem3A_320 = arith.remui %while3A_185, %rem3A_319 : i32
          %rem3A_321 = arith.constant 2 : i32
          %rem3A_322 = arith.remui %while3A_187, %rem3A_321 : i32
          %dma_start3A_323 = arith.constant 0 : i32
          "tpu.trace_start"() <{level = 10 : i32, message = "ep_run_kernel"}> : () -> ()
          %dma_start3A_324 = arith.constant 0 : i32
          %dma_start3A_325 = arith.constant 0 : i32
          %dma_start3A_326 = tpu.memref_slice %run_scoped3A_20[%rem3A_320, %dma_start3A_324, %dma_start3A_325] : memref<2x128x128xf32, #tpu.memory_space<vmem>> -> memref<1x128x128xf32, #tpu.memory_space<vmem>>
          %dma_start3A_327 = tpu.memref_squeeze %dma_start3A_326 : memref<1x128x128xf32, #tpu.memory_space<vmem>> -> memref<128x128xf32, #tpu.memory_space<vmem>>
          %dma_start3A_328 = arith.constant 0 : i32
          %dma_start3A_329 = arith.constant 0 : i32
          %dma_start3A_330 = tpu.memref_slice %run_scoped3A[%rem3A_316, %dma_start3A_328, %dma_start3A_329] : memref<2x1x128xi32, #tpu.memory_space<vmem>> -> memref<1x1x128xi32, #tpu.memory_space<vmem>>
          %dma_start3A_331 = tpu.memref_squeeze %dma_start3A_330 : memref<1x1x128xi32, #tpu.memory_space<vmem>> -> memref<1x128xi32, #tpu.memory_space<vmem>>
          %dma_start3A_332 = arith.constant 0 : i32
          %dma_start3A_333 = tpu.memref_slice %dma_start3A_331[%dma_start3A_323, %dma_start3A_332] : memref<1x128xi32, #tpu.memory_space<vmem>> -> memref<1x128xi32, #tpu.memory_space<vmem>>
          %dma_start3A_334 = tpu.memref_squeeze %dma_start3A_333 : memref<1x128xi32, #tpu.memory_space<vmem>> -> memref<128xi32, #tpu.memory_space<vmem>>
          %dma_start3A_335 = arith.constant 0 : i32
          %dma_start3A_336 = arith.constant 0 : i32
          %dma_start3A_337 = tpu.memref_slice %arg2[%dma_start3A_335, %dma_start3A_336] : memref<10000x128xf32, #tpu.memory_space<hbm>> -> memref<10000x128xf32, #tpu.memory_space<hbm>>
          tpu.enqueue_indirect_dma source(%dma_start3A_337 : memref<10000x128xf32, #tpu.memory_space<hbm>>) target(%dma_start3A_327 : memref<128x128xf32, #tpu.memory_space<vmem>>) offsets(%dma_start3A_334 : memref<128xi32, #tpu.memory_space<vmem>>) semaphore(%arg7 : memref<!tpu.dma_semaphore, #tpu.memory_space<semaphore_mem>>)
          %dma_start3A_338 = arith.constant 0 : i32
          %dma_start3A_339 = arith.constant 0 : i32
          %dma_start3A_340 = arith.constant 0 : i32
          %dma_start3A_341 = tpu.memref_slice %run_scoped3A_22[%rem3A_322, %dma_start3A_339, %dma_start3A_340] : memref<2x128x128xf32, #tpu.memory_space<vmem>> -> memref<1x128x128xf32, #tpu.memory_space<vmem>>
          %dma_start3A_342 = tpu.memref_squeeze %dma_start3A_341 : memref<1x128x128xf32, #tpu.memory_space<vmem>> -> memref<128x128xf32, #tpu.memory_space<vmem>>
          %dma_start3A_343 = arith.constant 0 : i32
          %dma_start3A_344 = arith.constant 0 : i32
          %dma_start3A_345 = tpu.memref_slice %run_scoped3A_18[%rem3A_318, %dma_start3A_343, %dma_start3A_344] : memref<2x1x128xi32, #tpu.memory_space<vmem>> -> memref<1x1x128xi32, #tpu.memory_space<vmem>>
          %dma_start3A_346 = tpu.memref_squeeze %dma_start3A_345 : memref<1x1x128xi32, #tpu.memory_space<vmem>> -> memref<1x128xi32, #tpu.memory_space<vmem>>
          %dma_start3A_347 = arith.constant 0 : i32
          %dma_start3A_348 = tpu.memref_slice %dma_start3A_346[%dma_start3A_338, %dma_start3A_347] : memref<1x128xi32, #tpu.memory_space<vmem>> -> memref<1x128xi32, #tpu.memory_space<vmem>>
          %dma_start3A_349 = tpu.memref_squeeze %dma_start3A_348 : memref<1x128xi32, #tpu.memory_space<vmem>> -> memref<128xi32, #tpu.memory_space<vmem>>
          %dma_start3A_350 = arith.constant 0 : i32
          %dma_start3A_351 = arith.constant 0 : i32
          %dma_start3A_352 = tpu.memref_slice %arg2[%dma_start3A_350, %dma_start3A_351] : memref<10000x128xf32, #tpu.memory_space<hbm>> -> memref<10000x128xf32, #tpu.memory_space<hbm>>
          tpu.enqueue_indirect_dma source(%dma_start3A_352 : memref<10000x128xf32, #tpu.memory_space<hbm>>) target(%dma_start3A_342 : memref<128x128xf32, #tpu.memory_space<vmem>>) offsets(%dma_start3A_349 : memref<128xi32, #tpu.memory_space<vmem>>) semaphore(%arg8 : memref<!tpu.dma_semaphore, #tpu.memory_space<semaphore_mem>>)
          %dma_wait3A = arith.constant 0 : i32
          %dma_wait3A_353 = arith.constant 0 : i32
          %dma_wait3A_354 = arith.constant 0 : i32
          %dma_wait3A_355 = tpu.memref_slice %run_scoped3A_20[%rem3A_320, %dma_wait3A_353, %dma_wait3A_354] : memref<2x128x128xf32, #tpu.memory_space<vmem>> -> memref<1x128x128xf32, #tpu.memory_space<vmem>>
          %dma_wait3A_356 = tpu.memref_squeeze %dma_wait3A_355 : memref<1x128x128xf32, #tpu.memory_space<vmem>> -> memref<128x128xf32, #tpu.memory_space<vmem>>
          %dma_wait3A_357 = arith.constant 0 : i32
          %dma_wait3A_358 = arith.constant 0 : i32
          %dma_wait3A_359 = tpu.memref_slice %run_scoped3A[%rem3A_316, %dma_wait3A_357, %dma_wait3A_358] : memref<2x1x128xi32, #tpu.memory_space<vmem>> -> memref<1x1x128xi32, #tpu.memory_space<vmem>>
          %dma_wait3A_360 = tpu.memref_squeeze %dma_wait3A_359 : memref<1x1x128xi32, #tpu.memory_space<vmem>> -> memref<1x128xi32, #tpu.memory_space<vmem>>
          %dma_wait3A_361 = arith.constant 0 : i32
          %dma_wait3A_362 = tpu.memref_slice %dma_wait3A_360[%dma_wait3A, %dma_wait3A_361] : memref<1x128xi32, #tpu.memory_space<vmem>> -> memref<1x128xi32, #tpu.memory_space<vmem>>
          %dma_wait3A_363 = tpu.memref_squeeze %dma_wait3A_362 : memref<1x128xi32, #tpu.memory_space<vmem>> -> memref<128xi32, #tpu.memory_space<vmem>>
          %dma_wait3A_364 = arith.constant 0 : i32
          %dma_wait3A_365 = arith.constant 0 : i32
          %dma_wait3A_366 = tpu.memref_slice %arg2[%dma_wait3A_364, %dma_wait3A_365] : memref<10000x128xf32, #tpu.memory_space<hbm>> -> memref<10000x128xf32, #tpu.memory_space<hbm>>
          tpu.wait_indirect_dma semaphore(%arg7 : memref<!tpu.dma_semaphore, #tpu.memory_space<semaphore_mem>>) src(%dma_wait3A_366 : memref<10000x128xf32, #tpu.memory_space<hbm>>) dst(%dma_wait3A_356 : memref<128x128xf32, #tpu.memory_space<vmem>>)
          %dma_wait3A_367 = arith.constant 0 : i32
          %dma_wait3A_368 = arith.constant 0 : i32
          %dma_wait3A_369 = arith.constant 0 : i32
          %dma_wait3A_370 = tpu.memref_slice %run_scoped3A_22[%rem3A_322, %dma_wait3A_368, %dma_wait3A_369] : memref<2x128x128xf32, #tpu.memory_space<vmem>> -> memref<1x128x128xf32, #tpu.memory_space<vmem>>
          %dma_wait3A_371 = tpu.memref_squeeze %dma_wait3A_370 : memref<1x128x128xf32, #tpu.memory_space<vmem>> -> memref<128x128xf32, #tpu.memory_space<vmem>>
          %dma_wait3A_372 = arith.constant 0 : i32
          %dma_wait3A_373 = arith.constant 0 : i32
          %dma_wait3A_374 = tpu.memref_slice %run_scoped3A_18[%rem3A_318, %dma_wait3A_372, %dma_wait3A_373] : memref<2x1x128xi32, #tpu.memory_space<vmem>> -> memref<1x1x128xi32, #tpu.memory_space<vmem>>
          %dma_wait3A_375 = tpu.memref_squeeze %dma_wait3A_374 : memref<1x1x128xi32, #tpu.memory_space<vmem>> -> memref<1x128xi32, #tpu.memory_space<vmem>>
          %dma_wait3A_376 = arith.constant 0 : i32
          %dma_wait3A_377 = tpu.memref_slice %dma_wait3A_375[%dma_wait3A_367, %dma_wait3A_376] : memref<1x128xi32, #tpu.memory_space<vmem>> -> memref<1x128xi32, #tpu.memory_space<vmem>>
          %dma_wait3A_378 = tpu.memref_squeeze %dma_wait3A_377 : memref<1x128xi32, #tpu.memory_space<vmem>> -> memref<128xi32, #tpu.memory_space<vmem>>
          %dma_wait3A_379 = arith.constant 0 : i32
          %dma_wait3A_380 = arith.constant 0 : i32
          %dma_wait3A_381 = tpu.memref_slice %arg2[%dma_wait3A_379, %dma_wait3A_380] : memref<10000x128xf32, #tpu.memory_space<hbm>> -> memref<10000x128xf32, #tpu.memory_space<hbm>>
          tpu.wait_indirect_dma semaphore(%arg8 : memref<!tpu.dma_semaphore, #tpu.memory_space<semaphore_mem>>) src(%dma_wait3A_381 : memref<10000x128xf32, #tpu.memory_space<hbm>>) dst(%dma_wait3A_371 : memref<128x128xf32, #tpu.memory_space<vmem>>)
          "tpu.trace_stop"() : () -> ()
          %ne3A_382 = arith.cmpi ne, %add3A_197, %add3A_215 : i32
          %or3A_383 = arith.constant false
          %or3A_384 = arith.ori %or3A_383, %ne3A_382 : i1
          %or3A_385 = arith.ori %or3A_384, %eq3A_196 : i1
          %convert_element_type3A_386 = arith.extui %or3A_385 : i1 to i32
          %cond3A_387 = arith.constant 0 : i32
          %cond3A_388 = arith.cmpi ne, %convert_element_type3A_386, %cond3A_387 : i32
          scf.if %cond3A_388 {
          } else {
          }
          %and3A_389 = arith.constant false
          %and3A_390 = arith.andi %or3A_385, %and3A_389 : i1
          %ne3A_391 = arith.cmpi ne, %add3A_197, %add3A_215 : i32
          %or3A_392 = arith.constant false
          %or3A_393 = arith.ori %or3A_392, %ne3A_391 : i1
          %or3A_394 = arith.ori %or3A_393, %eq3A_196 : i1
          %convert_element_type3A_395 = arith.extui %or3A_394 : i1 to i32
          %cond3A_396 = arith.constant 0 : i32
          %cond3A_397 = arith.cmpi ne, %convert_element_type3A_395, %cond3A_396 : i32
          scf.if %cond3A_397 {
          } else {
          }
          %and3A_398 = arith.constant false
          %and3A_399 = arith.andi %or3A_394, %and3A_398 : i1
          %ne3A_400 = arith.cmpi ne, %add3A_197, %add3A_215 : i32
          %or3A_401 = arith.constant false
          %or3A_402 = arith.ori %or3A_401, %ne3A_400 : i1
          %or3A_403 = arith.constant false
          %or3A_404 = arith.ori %or3A_402, %or3A_403 : i1
          %or3A_405 = arith.ori %or3A_404, %eq3A_196 : i1
          %convert_element_type3A_406 = arith.extui %or3A_405 : i1 to i32
          %cond3A_407 = arith.constant 0 : i32
          %cond3A_408 = arith.cmpi ne, %convert_element_type3A_406, %cond3A_407 : i32
          scf.if %cond3A_408 {
            "tpu.trace_start"() <{level = 10 : i32, message = "ep_copy_out"}> : () -> ()
            %rem3A_503 = arith.constant 2 : i32
            %rem3A_504 = arith.remui %while3A_185, %rem3A_503 : i32
            %mul3A_505 = arith.constant 128 : i32
            %mul3A_506 = arith.muli %mul3A_505, %add3A_197 : i32
            %dma_start3A_507 = arith.constant 0 : i32
            %dma_start3A_508 = arith.constant 0 : i32
            %dma_start3A_509 = tpu.memref_slice %run_scoped3A_20[%rem3A_504, %dma_start3A_507, %dma_start3A_508] : memref<2x128x128xf32, #tpu.memory_space<vmem>> -> memref<1x128x128xf32, #tpu.memory_space<vmem>>
            %dma_start3A_510 = tpu.memref_squeeze %dma_start3A_509 : memref<1x128x128xf32, #tpu.memory_space<vmem>> -> memref<128x128xf32, #tpu.memory_space<vmem>>
            %dma_start3A_511 = arith.constant 0 : i32
            %dma_start3A_512 = tpu.memref_slice %arg5[%mul3A_506, %dma_start3A_511] : memref<320000x128xf32, #tpu.memory_space<hbm>> -> memref<128x128xf32, #tpu.memory_space<hbm>>
            %dma_start3A_513 = tpu.memref_slice %run_scoped3A_21[%rem3A_504] : memref<2x!tpu.dma_semaphore, #tpu.memory_space<semaphore_mem>> -> memref<1x!tpu.dma_semaphore, #tpu.memory_space<semaphore_mem>>
            %dma_start3A_514 = tpu.memref_squeeze %dma_start3A_513 : memref<1x!tpu.dma_semaphore, #tpu.memory_space<semaphore_mem>> -> memref<!tpu.dma_semaphore, #tpu.memory_space<semaphore_mem>>
            %dma_start3A_515 = arith.constant 0 : i32
            %dma_start3A_516 = tpu.memref_slice %arg5[%mul3A_506, %dma_start3A_515] : memref<320000x128xf32, #tpu.memory_space<hbm>> -> memref<128x128xf32, #tpu.memory_space<hbm>>
            %dma_start3A_517 = arith.constant 0 : i32
            %dma_start3A_518 = arith.constant 0 : i32
            %dma_start3A_519 = tpu.memref_slice %run_scoped3A_20[%rem3A_504, %dma_start3A_517, %dma_start3A_518] : memref<2x128x128xf32, #tpu.memory_space<vmem>> -> memref<1x128x128xf32, #tpu.memory_space<vmem>>
            %dma_start3A_520 = tpu.memref_squeeze %dma_start3A_519 : memref<1x128x128xf32, #tpu.memory_space<vmem>> -> memref<128x128xf32, #tpu.memory_space<vmem>>
            tpu.enqueue_dma source(%dma_start3A_520 : memref<128x128xf32, #tpu.memory_space<vmem>>) target(%dma_start3A_516 : memref<128x128xf32, #tpu.memory_space<hbm>>) target_semaphore(%dma_start3A_514 : memref<!tpu.dma_semaphore, #tpu.memory_space<semaphore_mem>>)
            "tpu.trace_stop"() : () -> ()
          } else {
          }
          %and3A_409 = arith.constant true
          %and3A_410 = arith.andi %or3A_405, %and3A_409 : i1
          %add3A_411 = arith.constant 1 : i32
          %add3A_412 = arith.addi %while3A_185, %add3A_411 : i32
          %select_n3A_413 = arith.select %and3A_410, %add3A_412, %while3A_185 : i32
          %ne3A_414 = arith.cmpi ne, %add3A_197, %add3A_215 : i32
          %or3A_415 = arith.constant false
          %or3A_416 = arith.ori %or3A_415, %ne3A_414 : i1
          %or3A_417 = arith.constant false
          %or3A_418 = arith.ori %or3A_416, %or3A_417 : i1
          %or3A_419 = arith.ori %or3A_418, %eq3A_196 : i1
          %convert_element_type3A_420 = arith.extui %or3A_419 : i1 to i32
          %cond3A_421 = arith.constant 0 : i32
          %cond3A_422 = arith.cmpi ne, %convert_element_type3A_420, %cond3A_421 : i32
          scf.if %cond3A_422 {
            "tpu.trace_start"() <{level = 10 : i32, message = "ep_copy_out"}> : () -> ()
            %rem3A_503 = arith.constant 2 : i32
            %rem3A_504 = arith.remui %while3A_187, %rem3A_503 : i32
            %mul3A_505 = arith.constant 128 : i32
            %mul3A_506 = arith.muli %mul3A_505, %add3A_197 : i32
            %dma_start3A_507 = arith.constant 0 : i32
            %dma_start3A_508 = arith.constant 0 : i32
            %dma_start3A_509 = tpu.memref_slice %run_scoped3A_22[%rem3A_504, %dma_start3A_507, %dma_start3A_508] : memref<2x128x128xf32, #tpu.memory_space<vmem>> -> memref<1x128x128xf32, #tpu.memory_space<vmem>>
            %dma_start3A_510 = tpu.memref_squeeze %dma_start3A_509 : memref<1x128x128xf32, #tpu.memory_space<vmem>> -> memref<128x128xf32, #tpu.memory_space<vmem>>
            %dma_start3A_511 = arith.constant 0 : i32
            %dma_start3A_512 = tpu.memref_slice %arg6[%mul3A_506, %dma_start3A_511] : memref<320000x128xf32, #tpu.memory_space<hbm>> -> memref<128x128xf32, #tpu.memory_space<hbm>>
            %dma_start3A_513 = tpu.memref_slice %run_scoped3A_23[%rem3A_504] : memref<2x!tpu.dma_semaphore, #tpu.memory_space<semaphore_mem>> -> memref<1x!tpu.dma_semaphore, #tpu.memory_space<semaphore_mem>>
            %dma_start3A_514 = tpu.memref_squeeze %dma_start3A_513 : memref<1x!tpu.dma_semaphore, #tpu.memory_space<semaphore_mem>> -> memref<!tpu.dma_semaphore, #tpu.memory_space<semaphore_mem>>
            %dma_start3A_515 = arith.constant 0 : i32
            %dma_start3A_516 = tpu.memref_slice %arg6[%mul3A_506, %dma_start3A_515] : memref<320000x128xf32, #tpu.memory_space<hbm>> -> memref<128x128xf32, #tpu.memory_space<hbm>>
            %dma_start3A_517 = arith.constant 0 : i32
            %dma_start3A_518 = arith.constant 0 : i32
            %dma_start3A_519 = tpu.memref_slice %run_scoped3A_22[%rem3A_504, %dma_start3A_517, %dma_start3A_518] : memref<2x128x128xf32, #tpu.memory_space<vmem>> -> memref<1x128x128xf32, #tpu.memory_space<vmem>>
            %dma_start3A_520 = tpu.memref_squeeze %dma_start3A_519 : memref<1x128x128xf32, #tpu.memory_space<vmem>> -> memref<128x128xf32, #tpu.memory_space<vmem>>
            tpu.enqueue_dma source(%dma_start3A_520 : memref<128x128xf32, #tpu.memory_space<vmem>>) target(%dma_start3A_516 : memref<128x128xf32, #tpu.memory_space<hbm>>) target_semaphore(%dma_start3A_514 : memref<!tpu.dma_semaphore, #tpu.memory_space<semaphore_mem>>)
            "tpu.trace_stop"() : () -> ()
          } else {
          }
          %and3A_423 = arith.constant true
          %and3A_424 = arith.andi %or3A_419, %and3A_423 : i1
          %add3A_425 = arith.constant 1 : i32
          %add3A_426 = arith.addi %while3A_187, %add3A_425 : i32
          %select_n3A_427 = arith.select %and3A_424, %add3A_426, %while3A_187 : i32
          %ne3A_428 = arith.cmpi ne, %add3A_197, %add3A_207 : i32
          %or3A_429 = arith.constant false
          %or3A_430 = arith.ori %or3A_429, %ne3A_428 : i1
          %not3A_431 = arith.constant true
          %not3A_432 = arith.xori %eq3A_193, %not3A_431 : i1
          %and3A_433 = arith.andi %or3A_430, %not3A_432 : i1
          %convert_element_type3A_434 = arith.extui %and3A_433 : i1 to i32
          %cond3A_435 = arith.constant 0 : i32
          %cond3A_436 = arith.cmpi ne, %convert_element_type3A_434, %cond3A_435 : i32
          scf.if %cond3A_436 {
          } else {
          }
          %and3A_437 = arith.constant false
          %and3A_438 = arith.andi %and3A_433, %and3A_437 : i1
          %ne3A_439 = arith.cmpi ne, %add3A_197, %add3A_207 : i32
          %or3A_440 = arith.constant false
          %or3A_441 = arith.ori %or3A_440, %ne3A_439 : i1
          %not3A_442 = arith.constant true
          %not3A_443 = arith.xori %eq3A_193, %not3A_442 : i1
          %and3A_444 = arith.andi %or3A_441, %not3A_443 : i1
          %convert_element_type3A_445 = arith.extui %and3A_444 : i1 to i32
          %cond3A_446 = arith.constant 0 : i32
          %cond3A_447 = arith.cmpi ne, %convert_element_type3A_445, %cond3A_446 : i32
          scf.if %cond3A_447 {
          } else {
          }
          %and3A_448 = arith.constant false
          %and3A_449 = arith.andi %and3A_444, %and3A_448 : i1
          %ne3A_450 = arith.cmpi ne, %add3A_197, %add3A_207 : i32
          %or3A_451 = arith.constant false
          %or3A_452 = arith.ori %or3A_451, %ne3A_450 : i1
          %or3A_453 = arith.constant false
          %or3A_454 = arith.ori %or3A_452, %or3A_453 : i1
          %not3A_455 = arith.constant true
          %not3A_456 = arith.xori %eq3A_193, %not3A_455 : i1
          %and3A_457 = arith.andi %or3A_454, %not3A_456 : i1
          %convert_element_type3A_458 = arith.extui %and3A_457 : i1 to i32
          %cond3A_459 = arith.constant 0 : i32
          %cond3A_460 = arith.cmpi ne, %convert_element_type3A_458, %cond3A_459 : i32
          scf.if %cond3A_460 {
            "tpu.trace_start"() <{level = 10 : i32, message = "ep_wait_out"}> : () -> ()
            %rem3A_503 = arith.constant 2 : i32
            %rem3A_504 = arith.remui %while3A_186, %rem3A_503 : i32
            %mul3A_505 = arith.constant 128 : i32
            %mul3A_506 = arith.muli %mul3A_505, %add3A_207 : i32
            %dma_wait3A_507 = arith.constant 0 : i32
            %dma_wait3A_508 = arith.constant 0 : i32
            %dma_wait3A_509 = tpu.memref_slice %run_scoped3A_20[%rem3A_504, %dma_wait3A_507, %dma_wait3A_508] : memref<2x128x128xf32, #tpu.memory_space<vmem>> -> memref<1x128x128xf32, #tpu.memory_space<vmem>>
            %dma_wait3A_510 = tpu.memref_squeeze %dma_wait3A_509 : memref<1x128x128xf32, #tpu.memory_space<vmem>> -> memref<128x128xf32, #tpu.memory_space<vmem>>
            %dma_wait3A_511 = arith.constant 0 : i32
            %dma_wait3A_512 = tpu.memref_slice %arg5[%mul3A_506, %dma_wait3A_511] : memref<320000x128xf32, #tpu.memory_space<hbm>> -> memref<128x128xf32, #tpu.memory_space<hbm>>
            %dma_wait3A_513 = tpu.memref_slice %run_scoped3A_21[%rem3A_504] : memref<2x!tpu.dma_semaphore, #tpu.memory_space<semaphore_mem>> -> memref<1x!tpu.dma_semaphore, #tpu.memory_space<semaphore_mem>>
            %dma_wait3A_514 = tpu.memref_squeeze %dma_wait3A_513 : memref<1x!tpu.dma_semaphore, #tpu.memory_space<semaphore_mem>> -> memref<!tpu.dma_semaphore, #tpu.memory_space<semaphore_mem>>
            %dma_wait3A_515 = arith.constant 0 : i32
            %dma_wait3A_516 = tpu.memref_slice %arg5[%mul3A_506, %dma_wait3A_515] : memref<320000x128xf32, #tpu.memory_space<hbm>> -> memref<128x128xf32, #tpu.memory_space<hbm>>
            %dma_wait3A_517 = arith.constant 0 : i32
            %dma_wait3A_518 = arith.constant 0 : i32
            %dma_wait3A_519 = tpu.memref_slice %run_scoped3A_20[%rem3A_504, %dma_wait3A_517, %dma_wait3A_518] : memref<2x128x128xf32, #tpu.memory_space<vmem>> -> memref<1x128x128xf32, #tpu.memory_space<vmem>>
            %dma_wait3A_520 = tpu.memref_squeeze %dma_wait3A_519 : memref<1x128x128xf32, #tpu.memory_space<vmem>> -> memref<128x128xf32, #tpu.memory_space<vmem>>
            tpu.wait_dma2 semaphore(%dma_wait3A_514 : memref<!tpu.dma_semaphore, #tpu.memory_space<semaphore_mem>>) src(%dma_wait3A_520 : memref<128x128xf32, #tpu.memory_space<vmem>>) dst(%dma_wait3A_516 : memref<128x128xf32, #tpu.memory_space<hbm>>)
            "tpu.trace_stop"() : () -> ()
          } else {
          }
          %and3A_461 = arith.constant true
          %and3A_462 = arith.andi %and3A_457, %and3A_461 : i1
          %add3A_463 = arith.constant 1 : i32
          %add3A_464 = arith.addi %while3A_186, %add3A_463 : i32
          %select_n3A_465 = arith.select %and3A_462, %add3A_464, %while3A_186 : i32
          %ne3A_466 = arith.cmpi ne, %add3A_197, %add3A_207 : i32
          %or3A_467 = arith.constant false
          %or3A_468 = arith.ori %or3A_467, %ne3A_466 : i1
          %or3A_469 = arith.constant false
          %or3A_470 = arith.ori %or3A_468, %or3A_469 : i1
          %not3A_471 = arith.constant true
          %not3A_472 = arith.xori %eq3A_193, %not3A_471 : i1
          %and3A_473 = arith.andi %or3A_470, %not3A_472 : i1
          %convert_element_type3A_474 = arith.extui %and3A_473 : i1 to i32
          %cond3A_475 = arith.constant 0 : i32
          %cond3A_476 = arith.cmpi ne, %convert_element_type3A_474, %cond3A_475 : i32
          scf.if %cond3A_476 {
            "tpu.trace_start"() <{level = 10 : i32, message = "ep_wait_out"}> : () -> ()
            %rem3A_503 = arith.constant 2 : i32
            %rem3A_504 = arith.remui %while3A_188, %rem3A_503 : i32
            %mul3A_505 = arith.constant 128 : i32
            %mul3A_506 = arith.muli %mul3A_505, %add3A_207 : i32
            %dma_wait3A_507 = arith.constant 0 : i32
            %dma_wait3A_508 = arith.constant 0 : i32
            %dma_wait3A_509 = tpu.memref_slice %run_scoped3A_22[%rem3A_504, %dma_wait3A_507, %dma_wait3A_508] : memref<2x128x128xf32, #tpu.memory_space<vmem>> -> memref<1x128x128xf32, #tpu.memory_space<vmem>>
            %dma_wait3A_510 = tpu.memref_squeeze %dma_wait3A_509 : memref<1x128x128xf32, #tpu.memory_space<vmem>> -> memref<128x128xf32, #tpu.memory_space<vmem>>
            %dma_wait3A_511 = arith.constant 0 : i32
            %dma_wait3A_512 = tpu.memref_slice %arg6[%mul3A_506, %dma_wait3A_511] : memref<320000x128xf32, #tpu.memory_space<hbm>> -> memref<128x128xf32, #tpu.memory_space<hbm>>
            %dma_wait3A_513 = tpu.memref_slice %run_scoped3A_23[%rem3A_504] : memref<2x!tpu.dma_semaphore, #tpu.memory_space<semaphore_mem>> -> memref<1x!tpu.dma_semaphore, #tpu.memory_space<semaphore_mem>>
            %dma_wait3A_514 = tpu.memref_squeeze %dma_wait3A_513 : memref<1x!tpu.dma_semaphore, #tpu.memory_space<semaphore_mem>> -> memref<!tpu.dma_semaphore, #tpu.memory_space<semaphore_mem>>
            %dma_wait3A_515 = arith.constant 0 : i32
            %dma_wait3A_516 = tpu.memref_slice %arg6[%mul3A_506, %dma_wait3A_515] : memref<320000x128xf32, #tpu.memory_space<hbm>> -> memref<128x128xf32, #tpu.memory_space<hbm>>
            %dma_wait3A_517 = arith.constant 0 : i32
            %dma_wait3A_518 = arith.constant 0 : i32
            %dma_wait3A_519 = tpu.memref_slice %run_scoped3A_22[%rem3A_504, %dma_wait3A_517, %dma_wait3A_518] : memref<2x128x128xf32, #tpu.memory_space<vmem>> -> memref<1x128x128xf32, #tpu.memory_space<vmem>>
            %dma_wait3A_520 = tpu.memref_squeeze %dma_wait3A_519 : memref<1x128x128xf32, #tpu.memory_space<vmem>> -> memref<128x128xf32, #tpu.memory_space<vmem>>
            tpu.wait_dma2 semaphore(%dma_wait3A_514 : memref<!tpu.dma_semaphore, #tpu.memory_space<semaphore_mem>>) src(%dma_wait3A_520 : memref<128x128xf32, #tpu.memory_space<vmem>>) dst(%dma_wait3A_516 : memref<128x128xf32, #tpu.memory_space<hbm>>)
            "tpu.trace_stop"() : () -> ()
          } else {
          }
          %and3A_477 = arith.constant true
          %and3A_478 = arith.andi %and3A_473, %and3A_477 : i1
          %add3A_479 = arith.constant 1 : i32
          %add3A_480 = arith.addi %while3A_188, %add3A_479 : i32
          %select_n3A_481 = arith.select %and3A_478, %add3A_480, %while3A_188 : i32
          %ne3A_482 = arith.cmpi ne, %add3A_197, %add3A_215 : i32
          %or3A_483 = arith.constant false
          %or3A_484 = arith.ori %or3A_483, %ne3A_482 : i1
          %or3A_485 = arith.ori %or3A_484, %eq3A_196 : i1
          %add3A_486 = arith.constant 1 : i32
          %add3A_487 = arith.addi %while3A_182, %add3A_486 : i32
          %select_n3A_488 = arith.select %or3A_485, %add3A_487, %while3A_182 : i32
          %ne3A_489 = arith.cmpi ne, %add3A_197, %add3A_215 : i32
          %or3A_490 = arith.constant false
          %or3A_491 = arith.ori %or3A_490, %ne3A_489 : i1
          %or3A_492 = arith.ori %or3A_491, %eq3A_196 : i1
          %add3A_493 = arith.constant 1 : i32
          %add3A_494 = arith.addi %while3A_184, %add3A_493 : i32
          %select_n3A_495 = arith.select %or3A_492, %add3A_494, %while3A_184 : i32
          %add3A_496 = arith.constant 1 : i32
          %add3A_497 = arith.addi %while3A_189, %add3A_496 : i32
          %select_n3A_498 = arith.constant true
          %select_n3A_499 = arith.select %select_n3A_498, %add3A_497, %while3A_189 : i32
          %eq3A_500 = arith.cmpi eq, %select_n3A_499, %select_n3A : i32
          %select_n3A_501 = arith.constant 0 : i32
          %select_n3A_502 = arith.select %eq3A_500, %select_n3A_501, %select_n3A_499 : i32
          scf.yield %select_n3A_237, %select_n3A_488, %select_n3A_256, %select_n3A_495, %select_n3A_413, %select_n3A_465, %select_n3A_427, %select_n3A_481, %select_n3A_502 : i32, i32, i32, i32, i32, i32, i32, i32, i32
        }
        %while3A_121 = arith.constant 1 : i32
        %while3A_122:9 = scf.for %while3A_180 = %while3A_118 to %while3A_114 step %while3A_121 iter_args(%while3A_181 = %while3A_120#0, %while3A_182 = %while3A_120#1, %while3A_183 = %while3A_120#2, %while3A_184 = %while3A_120#3, %while3A_185 = %while3A_120#4, %while3A_186 = %while3A_120#5, %while3A_187 = %while3A_120#6, %while3A_188 = %while3A_120#7, %while3A_189 = %while3A_120#8) -> (i32, i32, i32, i32, i32, i32, i32, i32, i32)  : i32 {
          %mul3A_190 = arith.constant 1 : i32
          %mul3A_191 = arith.muli %mul3A_190, %select_n3A : i32
          %eq3A_192 = arith.constant 0 : i32
          %eq3A_193 = arith.cmpi eq, %while3A_180, %eq3A_192 : i32
          %sub3A_194 = arith.constant 1 : i32
          %sub3A_195 = arith.subi %mul3A_191, %sub3A_194 : i32
          %eq3A_196 = arith.cmpi eq, %while3A_180, %sub3A_195 : i32
          %add3A_197 = arith.addi %while3A_189, %select_n3A_14 : i32
          %sub3A_198 = arith.constant 1 : i32
          %sub3A_199 = arith.subi %while3A_189, %sub3A_198 : i32
          %select_n3A_200 = arith.constant true
          %select_n3A_201 = arith.select %select_n3A_200, %sub3A_199, %while3A_189 : i32
          %eq3A_202 = arith.constant -1 : i32
          %eq3A_203 = arith.cmpi eq, %select_n3A_201, %eq3A_202 : i32
          %sub3A_204 = arith.constant 1 : i32
          %sub3A_205 = arith.subi %select_n3A, %sub3A_204 : i32
          %select_n3A_206 = arith.select %eq3A_203, %sub3A_205, %select_n3A_201 : i32
          %add3A_207 = arith.addi %select_n3A_206, %select_n3A_14 : i32
          %add3A_208 = arith.constant 1 : i32
          %add3A_209 = arith.addi %while3A_189, %add3A_208 : i32
          %select_n3A_210 = arith.constant true
          %select_n3A_211 = arith.select %select_n3A_210, %add3A_209, %while3A_189 : i32
          %eq3A_212 = arith.cmpi eq, %select_n3A_211, %select_n3A : i32
          %select_n3A_213 = arith.constant 0 : i32
          %select_n3A_214 = arith.select %eq3A_212, %select_n3A_213, %select_n3A_211 : i32
          %add3A_215 = arith.addi %select_n3A_214, %select_n3A_14 : i32
          %add3A_216 = arith.constant 1 : i32
          %add3A_217 = arith.addi %select_n3A_214, %add3A_216 : i32
          %select_n3A_218 = arith.constant true
          %select_n3A_219 = arith.select %select_n3A_218, %add3A_217, %select_n3A_214 : i32
          %eq3A_220 = arith.cmpi eq, %select_n3A_219, %select_n3A : i32
          %select_n3A_221 = arith.constant 0 : i32
          %select_n3A_222 = arith.select %eq3A_220, %select_n3A_221, %select_n3A_219 : i32
          %add3A_223 = arith.addi %select_n3A_222, %select_n3A_14 : i32
          %ne3A = arith.cmpi ne, %add3A_197, %add3A_215 : i32
          %or3A = arith.constant false
          %or3A_224 = arith.ori %or3A, %ne3A : i1
          %sub3A_225 = arith.constant 2 : i32
          %sub3A_226 = arith.subi %mul3A_191, %sub3A_225 : i32
          %add3A_227 = arith.constant 1 : i32
          %add3A_228 = arith.addi %sub3A_226, %add3A_227 : i32
          %ge3A = arith.cmpi sge, %while3A_180, %add3A_228 : i32
          %not3A = arith.constant true
          %not3A_229 = arith.xori %ge3A, %not3A : i1
          %and3A = arith.andi %or3A_224, %not3A_229 : i1
          %convert_element_type3A_230 = arith.extui %and3A : i1 to i32
          %cond3A_231 = arith.constant 0 : i32
          %cond3A_232 = arith.cmpi ne, %convert_element_type3A_230, %cond3A_231 : i32
          scf.if %cond3A_232 {
            "tpu.trace_start"() <{level = 10 : i32, message = "ep_copy_in"}> : () -> ()
            %rem3A_503 = arith.constant 2 : i32
            %rem3A_504 = arith.remui %while3A_181, %rem3A_503 : i32
            %mul3A_505 = arith.constant 128 : i32
            %mul3A_506 = arith.muli %mul3A_505, %add3A_215 : i32
            %dma_start3A_507 = arith.constant 0 : i32
            %dma_start3A_508 = arith.constant 0 : i32
            %dma_start3A_509 = tpu.memref_slice %run_scoped3A[%rem3A_504, %dma_start3A_507, %dma_start3A_508] : memref<2x1x128xi32, #tpu.memory_space<vmem>> -> memref<1x1x128xi32, #tpu.memory_space<vmem>>
            %dma_start3A_510 = tpu.memref_squeeze %dma_start3A_509 : memref<1x1x128xi32, #tpu.memory_space<vmem>> -> memref<1x128xi32, #tpu.memory_space<vmem>>
            %dma_start3A_511 = arith.constant 0 : i32
            %dma_start3A_512 = tpu.memref_slice %arg3[%dma_start3A_511, %mul3A_506] : memref<1x320000xi32, #tpu.memory_space<hbm>> -> memref<1x128xi32, #tpu.memory_space<hbm>>
            %dma_start3A_513 = tpu.memref_slice %run_scoped3A_17[%rem3A_504] : memref<2x!tpu.dma_semaphore, #tpu.memory_space<semaphore_mem>> -> memref<1x!tpu.dma_semaphore, #tpu.memory_space<semaphore_mem>>
            %dma_start3A_514 = tpu.memref_squeeze %dma_start3A_513 : memref<1x!tpu.dma_semaphore, #tpu.memory_space<semaphore_mem>> -> memref<!tpu.dma_semaphore, #tpu.memory_space<semaphore_mem>>
            %dma_start3A_515 = arith.constant 0 : i32
            %dma_start3A_516 = arith.constant 0 : i32
            %dma_start3A_517 = tpu.memref_slice %run_scoped3A[%rem3A_504, %dma_start3A_515, %dma_start3A_516] : memref<2x1x128xi32, #tpu.memory_space<vmem>> -> memref<1x1x128xi32, #tpu.memory_space<vmem>>
            %dma_start3A_518 = tpu.memref_squeeze %dma_start3A_517 : memref<1x1x128xi32, #tpu.memory_space<vmem>> -> memref<1x128xi32, #tpu.memory_space<vmem>>
            %dma_start3A_519 = arith.constant 0 : i32
            %dma_start3A_520 = tpu.memref_slice %arg3[%dma_start3A_519, %mul3A_506] : memref<1x320000xi32, #tpu.memory_space<hbm>> -> memref<1x128xi32, #tpu.memory_space<hbm>>
            tpu.enqueue_dma source(%dma_start3A_520 : memref<1x128xi32, #tpu.memory_space<hbm>>) target(%dma_start3A_518 : memref<1x128xi32, #tpu.memory_space<vmem>>) target_semaphore(%dma_start3A_514 : memref<!tpu.dma_semaphore, #tpu.memory_space<semaphore_mem>>)
            "tpu.trace_stop"() : () -> ()
          } else {
          }
          %and3A_233 = arith.constant true
          %and3A_234 = arith.andi %and3A, %and3A_233 : i1
          %add3A_235 = arith.constant 1 : i32
          %add3A_236 = arith.addi %while3A_181, %add3A_235 : i32
          %select_n3A_237 = arith.select %and3A_234, %add3A_236, %while3A_181 : i32
          %ne3A_238 = arith.cmpi ne, %add3A_197, %add3A_215 : i32
          %or3A_239 = arith.constant false
          %or3A_240 = arith.ori %or3A_239, %ne3A_238 : i1
          %sub3A_241 = arith.constant 2 : i32
          %sub3A_242 = arith.subi %mul3A_191, %sub3A_241 : i32
          %add3A_243 = arith.constant 1 : i32
          %add3A_244 = arith.addi %sub3A_242, %add3A_243 : i32
          %ge3A_245 = arith.cmpi sge, %while3A_180, %add3A_244 : i32
          %not3A_246 = arith.constant true
          %not3A_247 = arith.xori %ge3A_245, %not3A_246 : i1
          %and3A_248 = arith.andi %or3A_240, %not3A_247 : i1
          %convert_element_type3A_249 = arith.extui %and3A_248 : i1 to i32
          %cond3A_250 = arith.constant 0 : i32
          %cond3A_251 = arith.cmpi ne, %convert_element_type3A_249, %cond3A_250 : i32
          scf.if %cond3A_251 {
            "tpu.trace_start"() <{level = 10 : i32, message = "ep_copy_in"}> : () -> ()
            %rem3A_503 = arith.constant 2 : i32
            %rem3A_504 = arith.remui %while3A_183, %rem3A_503 : i32
            %mul3A_505 = arith.constant 128 : i32
            %mul3A_506 = arith.muli %mul3A_505, %add3A_215 : i32
            %dma_start3A_507 = arith.constant 0 : i32
            %dma_start3A_508 = arith.constant 0 : i32
            %dma_start3A_509 = tpu.memref_slice %run_scoped3A_18[%rem3A_504, %dma_start3A_507, %dma_start3A_508] : memref<2x1x128xi32, #tpu.memory_space<vmem>> -> memref<1x1x128xi32, #tpu.memory_space<vmem>>
            %dma_start3A_510 = tpu.memref_squeeze %dma_start3A_509 : memref<1x1x128xi32, #tpu.memory_space<vmem>> -> memref<1x128xi32, #tpu.memory_space<vmem>>
            %dma_start3A_511 = arith.constant 0 : i32
            %dma_start3A_512 = tpu.memref_slice %arg4[%dma_start3A_511, %mul3A_506] : memref<1x320000xi32, #tpu.memory_space<hbm>> -> memref<1x128xi32, #tpu.memory_space<hbm>>
            %dma_start3A_513 = tpu.memref_slice %run_scoped3A_19[%rem3A_504] : memref<2x!tpu.dma_semaphore, #tpu.memory_space<semaphore_mem>> -> memref<1x!tpu.dma_semaphore, #tpu.memory_space<semaphore_mem>>
            %dma_start3A_514 = tpu.memref_squeeze %dma_start3A_513 : memref<1x!tpu.dma_semaphore, #tpu.memory_space<semaphore_mem>> -> memref<!tpu.dma_semaphore, #tpu.memory_space<semaphore_mem>>
            %dma_start3A_515 = arith.constant 0 : i32
            %dma_start3A_516 = arith.constant 0 : i32
            %dma_start3A_517 = tpu.memref_slice %run_scoped3A_18[%rem3A_504, %dma_start3A_515, %dma_start3A_516] : memref<2x1x128xi32, #tpu.memory_space<vmem>> -> memref<1x1x128xi32, #tpu.memory_space<vmem>>
            %dma_start3A_518 = tpu.memref_squeeze %dma_start3A_517 : memref<1x1x128xi32, #tpu.memory_space<vmem>> -> memref<1x128xi32, #tpu.memory_space<vmem>>
            %dma_start3A_519 = arith.constant 0 : i32
            %dma_start3A_520 = tpu.memref_slice %arg4[%dma_start3A_519, %mul3A_506] : memref<1x320000xi32, #tpu.memory_space<hbm>> -> memref<1x128xi32, #tpu.memory_space<hbm>>
            tpu.enqueue_dma source(%dma_start3A_520 : memref<1x128xi32, #tpu.memory_space<hbm>>) target(%dma_start3A_518 : memref<1x128xi32, #tpu.memory_space<vmem>>) target_semaphore(%dma_start3A_514 : memref<!tpu.dma_semaphore, #tpu.memory_space<semaphore_mem>>)
            "tpu.trace_stop"() : () -> ()
          } else {
          }
          %and3A_252 = arith.constant true
          %and3A_253 = arith.andi %and3A_248, %and3A_252 : i1
          %add3A_254 = arith.constant 1 : i32
          %add3A_255 = arith.addi %while3A_183, %add3A_254 : i32
          %select_n3A_256 = arith.select %and3A_253, %add3A_255, %while3A_183 : i32
          %ne3A_257 = arith.cmpi ne, %add3A_197, %add3A_215 : i32
          %or3A_258 = arith.constant false
          %or3A_259 = arith.ori %or3A_258, %ne3A_257 : i1
          %or3A_260 = arith.constant false
          %or3A_261 = arith.ori %or3A_259, %or3A_260 : i1
          %sub3A_262 = arith.constant 2 : i32
          %sub3A_263 = arith.subi %mul3A_191, %sub3A_262 : i32
          %add3A_264 = arith.constant 1 : i32
          %add3A_265 = arith.addi %sub3A_263, %add3A_264 : i32
          %ge3A_266 = arith.cmpi sge, %while3A_180, %add3A_265 : i32
          %not3A_267 = arith.constant true
          %not3A_268 = arith.xori %ge3A_266, %not3A_267 : i1
          %and3A_269 = arith.andi %or3A_261, %not3A_268 : i1
          %ne3A_270 = arith.cmpi ne, %add3A_197, %add3A_215 : i32
          %or3A_271 = arith.constant false
          %or3A_272 = arith.ori %or3A_271, %ne3A_270 : i1
          %or3A_273 = arith.constant false
          %or3A_274 = arith.ori %or3A_272, %or3A_273 : i1
          %sub3A_275 = arith.constant 2 : i32
          %sub3A_276 = arith.subi %mul3A_191, %sub3A_275 : i32
          %add3A_277 = arith.constant 1 : i32
          %add3A_278 = arith.addi %sub3A_276, %add3A_277 : i32
          %ge3A_279 = arith.cmpi sge, %while3A_180, %add3A_278 : i32
          %not3A_280 = arith.constant true
          %not3A_281 = arith.xori %ge3A_279, %not3A_280 : i1
          %and3A_282 = arith.andi %or3A_274, %not3A_281 : i1
          %ne3A_283 = arith.cmpi ne, %add3A_197, %add3A_207 : i32
          %or3A_284 = arith.constant false
          %or3A_285 = arith.ori %or3A_284, %ne3A_283 : i1
          %or3A_286 = arith.ori %or3A_285, %eq3A_193 : i1
          %convert_element_type3A_287 = arith.extui %or3A_286 : i1 to i32
          %cond3A_288 = arith.constant 0 : i32
          %cond3A_289 = arith.cmpi ne, %convert_element_type3A_287, %cond3A_288 : i32
          scf.if %cond3A_289 {
            "tpu.trace_start"() <{level = 10 : i32, message = "ep_wait_in"}> : () -> ()
            %mul3A_503 = arith.constant 128 : i32
            %mul3A_504 = arith.muli %mul3A_503, %add3A_197 : i32
            %rem3A_505 = arith.constant 2 : i32
            %rem3A_506 = arith.remui %while3A_182, %rem3A_505 : i32
            %dma_wait3A_507 = arith.constant 0 : i32
            %dma_wait3A_508 = arith.constant 0 : i32
            %dma_wait3A_509 = tpu.memref_slice %run_scoped3A[%rem3A_506, %dma_wait3A_507, %dma_wait3A_508] : memref<2x1x128xi32, #tpu.memory_space<vmem>> -> memref<1x1x128xi32, #tpu.memory_space<vmem>>
            %dma_wait3A_510 = tpu.memref_squeeze %dma_wait3A_509 : memref<1x1x128xi32, #tpu.memory_space<vmem>> -> memref<1x128xi32, #tpu.memory_space<vmem>>
            %dma_wait3A_511 = arith.constant 0 : i32
            %dma_wait3A_512 = tpu.memref_slice %arg3[%dma_wait3A_511, %mul3A_504] : memref<1x320000xi32, #tpu.memory_space<hbm>> -> memref<1x128xi32, #tpu.memory_space<hbm>>
            %dma_wait3A_513 = tpu.memref_slice %run_scoped3A_17[%rem3A_506] : memref<2x!tpu.dma_semaphore, #tpu.memory_space<semaphore_mem>> -> memref<1x!tpu.dma_semaphore, #tpu.memory_space<semaphore_mem>>
            %dma_wait3A_514 = tpu.memref_squeeze %dma_wait3A_513 : memref<1x!tpu.dma_semaphore, #tpu.memory_space<semaphore_mem>> -> memref<!tpu.dma_semaphore, #tpu.memory_space<semaphore_mem>>
            %dma_wait3A_515 = arith.constant 0 : i32
            %dma_wait3A_516 = arith.constant 0 : i32
            %dma_wait3A_517 = tpu.memref_slice %run_scoped3A[%rem3A_506, %dma_wait3A_515, %dma_wait3A_516] : memref<2x1x128xi32, #tpu.memory_space<vmem>> -> memref<1x1x128xi32, #tpu.memory_space<vmem>>
            %dma_wait3A_518 = tpu.memref_squeeze %dma_wait3A_517 : memref<1x1x128xi32, #tpu.memory_space<vmem>> -> memref<1x128xi32, #tpu.memory_space<vmem>>
            %dma_wait3A_519 = arith.constant 0 : i32
            %dma_wait3A_520 = tpu.memref_slice %arg3[%dma_wait3A_519, %mul3A_504] : memref<1x320000xi32, #tpu.memory_space<hbm>> -> memref<1x128xi32, #tpu.memory_space<hbm>>
            tpu.wait_dma2 semaphore(%dma_wait3A_514 : memref<!tpu.dma_semaphore, #tpu.memory_space<semaphore_mem>>) src(%dma_wait3A_520 : memref<1x128xi32, #tpu.memory_space<hbm>>) dst(%dma_wait3A_518 : memref<1x128xi32, #tpu.memory_space<vmem>>)
            "tpu.trace_stop"() : () -> ()
          } else {
          }
          %ne3A_290 = arith.cmpi ne, %add3A_197, %add3A_207 : i32
          %or3A_291 = arith.constant false
          %or3A_292 = arith.ori %or3A_291, %ne3A_290 : i1
          %or3A_293 = arith.ori %or3A_292, %eq3A_193 : i1
          %convert_element_type3A_294 = arith.extui %or3A_293 : i1 to i32
          %cond3A_295 = arith.constant 0 : i32
          %cond3A_296 = arith.cmpi ne, %convert_element_type3A_294, %cond3A_295 : i32
          scf.if %cond3A_296 {
            "tpu.trace_start"() <{level = 10 : i32, message = "ep_wait_in"}> : () -> ()
            %mul3A_503 = arith.constant 128 : i32
            %mul3A_504 = arith.muli %mul3A_503, %add3A_197 : i32
            %rem3A_505 = arith.constant 2 : i32
            %rem3A_506 = arith.remui %while3A_184, %rem3A_505 : i32
            %dma_wait3A_507 = arith.constant 0 : i32
            %dma_wait3A_508 = arith.constant 0 : i32
            %dma_wait3A_509 = tpu.memref_slice %run_scoped3A_18[%rem3A_506, %dma_wait3A_507, %dma_wait3A_508] : memref<2x1x128xi32, #tpu.memory_space<vmem>> -> memref<1x1x128xi32, #tpu.memory_space<vmem>>
            %dma_wait3A_510 = tpu.memref_squeeze %dma_wait3A_509 : memref<1x1x128xi32, #tpu.memory_space<vmem>> -> memref<1x128xi32, #tpu.memory_space<vmem>>
            %dma_wait3A_511 = arith.constant 0 : i32
            %dma_wait3A_512 = tpu.memref_slice %arg4[%dma_wait3A_511, %mul3A_504] : memref<1x320000xi32, #tpu.memory_space<hbm>> -> memref<1x128xi32, #tpu.memory_space<hbm>>
            %dma_wait3A_513 = tpu.memref_slice %run_scoped3A_19[%rem3A_506] : memref<2x!tpu.dma_semaphore, #tpu.memory_space<semaphore_mem>> -> memref<1x!tpu.dma_semaphore, #tpu.memory_space<semaphore_mem>>
            %dma_wait3A_514 = tpu.memref_squeeze %dma_wait3A_513 : memref<1x!tpu.dma_semaphore, #tpu.memory_space<semaphore_mem>> -> memref<!tpu.dma_semaphore, #tpu.memory_space<semaphore_mem>>
            %dma_wait3A_515 = arith.constant 0 : i32
            %dma_wait3A_516 = arith.constant 0 : i32
            %dma_wait3A_517 = tpu.memref_slice %run_scoped3A_18[%rem3A_506, %dma_wait3A_515, %dma_wait3A_516] : memref<2x1x128xi32, #tpu.memory_space<vmem>> -> memref<1x1x128xi32, #tpu.memory_space<vmem>>
            %dma_wait3A_518 = tpu.memref_squeeze %dma_wait3A_517 : memref<1x1x128xi32, #tpu.memory_space<vmem>> -> memref<1x128xi32, #tpu.memory_space<vmem>>
            %dma_wait3A_519 = arith.constant 0 : i32
            %dma_wait3A_520 = tpu.memref_slice %arg4[%dma_wait3A_519, %mul3A_504] : memref<1x320000xi32, #tpu.memory_space<hbm>> -> memref<1x128xi32, #tpu.memory_space<hbm>>
            tpu.wait_dma2 semaphore(%dma_wait3A_514 : memref<!tpu.dma_semaphore, #tpu.memory_space<semaphore_mem>>) src(%dma_wait3A_520 : memref<1x128xi32, #tpu.memory_space<hbm>>) dst(%dma_wait3A_518 : memref<1x128xi32, #tpu.memory_space<vmem>>)
            "tpu.trace_stop"() : () -> ()
          } else {
          }
          %ne3A_297 = arith.cmpi ne, %add3A_197, %add3A_207 : i32
          %or3A_298 = arith.constant false
          %or3A_299 = arith.ori %or3A_298, %ne3A_297 : i1
          %or3A_300 = arith.constant false
          %or3A_301 = arith.ori %or3A_299, %or3A_300 : i1
          %or3A_302 = arith.ori %or3A_301, %eq3A_193 : i1
          %convert_element_type3A_303 = arith.extui %or3A_302 : i1 to i32
          %cond3A_304 = arith.constant 0 : i32
          %cond3A_305 = arith.cmpi ne, %convert_element_type3A_303, %cond3A_304 : i32
          scf.if %cond3A_305 {
          } else {
          }
          %ne3A_306 = arith.cmpi ne, %add3A_197, %add3A_207 : i32
          %or3A_307 = arith.constant false
          %or3A_308 = arith.ori %or3A_307, %ne3A_306 : i1
          %or3A_309 = arith.constant false
          %or3A_310 = arith.ori %or3A_308, %or3A_309 : i1
          %or3A_311 = arith.ori %or3A_310, %eq3A_193 : i1
          %convert_element_type3A_312 = arith.extui %or3A_311 : i1 to i32
          %cond3A_313 = arith.constant 0 : i32
          %cond3A_314 = arith.cmpi ne, %convert_element_type3A_312, %cond3A_313 : i32
          scf.if %cond3A_314 {
          } else {
          }
          %rem3A_315 = arith.constant 2 : i32
          %rem3A_316 = arith.remui %while3A_182, %rem3A_315 : i32
          %rem3A_317 = arith.constant 2 : i32
          %rem3A_318 = arith.remui %while3A_184, %rem3A_317 : i32
          %rem3A_319 = arith.constant 2 : i32
          %rem3A_320 = arith.remui %while3A_185, %rem3A_319 : i32
          %rem3A_321 = arith.constant 2 : i32
          %rem3A_322 = arith.remui %while3A_187, %rem3A_321 : i32
          %dma_start3A_323 = arith.constant 0 : i32
          "tpu.trace_start"() <{level = 10 : i32, message = "ep_run_kernel"}> : () -> ()
          %dma_start3A_324 = arith.constant 0 : i32
          %dma_start3A_325 = arith.constant 0 : i32
          %dma_start3A_326 = tpu.memref_slice %run_scoped3A_20[%rem3A_320, %dma_start3A_324, %dma_start3A_325] : memref<2x128x128xf32, #tpu.memory_space<vmem>> -> memref<1x128x128xf32, #tpu.memory_space<vmem>>
          %dma_start3A_327 = tpu.memref_squeeze %dma_start3A_326 : memref<1x128x128xf32, #tpu.memory_space<vmem>> -> memref<128x128xf32, #tpu.memory_space<vmem>>
          %dma_start3A_328 = arith.constant 0 : i32
          %dma_start3A_329 = arith.constant 0 : i32
          %dma_start3A_330 = tpu.memref_slice %run_scoped3A[%rem3A_316, %dma_start3A_328, %dma_start3A_329] : memref<2x1x128xi32, #tpu.memory_space<vmem>> -> memref<1x1x128xi32, #tpu.memory_space<vmem>>
          %dma_start3A_331 = tpu.memref_squeeze %dma_start3A_330 : memref<1x1x128xi32, #tpu.memory_space<vmem>> -> memref<1x128xi32, #tpu.memory_space<vmem>>
          %dma_start3A_332 = arith.constant 0 : i32
          %dma_start3A_333 = tpu.memref_slice %dma_start3A_331[%dma_start3A_323, %dma_start3A_332] : memref<1x128xi32, #tpu.memory_space<vmem>> -> memref<1x128xi32, #tpu.memory_space<vmem>>
          %dma_start3A_334 = tpu.memref_squeeze %dma_start3A_333 : memref<1x128xi32, #tpu.memory_space<vmem>> -> memref<128xi32, #tpu.memory_space<vmem>>
          %dma_start3A_335 = arith.constant 0 : i32
          %dma_start3A_336 = arith.constant 0 : i32
          %dma_start3A_337 = tpu.memref_slice %arg2[%dma_start3A_335, %dma_start3A_336] : memref<10000x128xf32, #tpu.memory_space<hbm>> -> memref<10000x128xf32, #tpu.memory_space<hbm>>
          tpu.enqueue_indirect_dma source(%dma_start3A_337 : memref<10000x128xf32, #tpu.memory_space<hbm>>) target(%dma_start3A_327 : memref<128x128xf32, #tpu.memory_space<vmem>>) offsets(%dma_start3A_334 : memref<128xi32, #tpu.memory_space<vmem>>) semaphore(%arg7 : memref<!tpu.dma_semaphore, #tpu.memory_space<semaphore_mem>>)
          %dma_start3A_338 = arith.constant 0 : i32
          %dma_start3A_339 = arith.constant 0 : i32
          %dma_start3A_340 = arith.constant 0 : i32
          %dma_start3A_341 = tpu.memref_slice %run_scoped3A_22[%rem3A_322, %dma_start3A_339, %dma_start3A_340] : memref<2x128x128xf32, #tpu.memory_space<vmem>> -> memref<1x128x128xf32, #tpu.memory_space<vmem>>
          %dma_start3A_342 = tpu.memref_squeeze %dma_start3A_341 : memref<1x128x128xf32, #tpu.memory_space<vmem>> -> memref<128x128xf32, #tpu.memory_space<vmem>>
          %dma_start3A_343 = arith.constant 0 : i32
          %dma_start3A_344 = arith.constant 0 : i32
          %dma_start3A_345 = tpu.memref_slice %run_scoped3A_18[%rem3A_318, %dma_start3A_343, %dma_start3A_344] : memref<2x1x128xi32, #tpu.memory_space<vmem>> -> memref<1x1x128xi32, #tpu.memory_space<vmem>>
          %dma_start3A_346 = tpu.memref_squeeze %dma_start3A_345 : memref<1x1x128xi32, #tpu.memory_space<vmem>> -> memref<1x128xi32, #tpu.memory_space<vmem>>
          %dma_start3A_347 = arith.constant 0 : i32
          %dma_start3A_348 = tpu.memref_slice %dma_start3A_346[%dma_start3A_338, %dma_start3A_347] : memref<1x128xi32, #tpu.memory_space<vmem>> -> memref<1x128xi32, #tpu.memory_space<vmem>>
          %dma_start3A_349 = tpu.memref_squeeze %dma_start3A_348 : memref<1x128xi32, #tpu.memory_space<vmem>> -> memref<128xi32, #tpu.memory_space<vmem>>
          %dma_start3A_350 = arith.constant 0 : i32
          %dma_start3A_351 = arith.constant 0 : i32
          %dma_start3A_352 = tpu.memref_slice %arg2[%dma_start3A_350, %dma_start3A_351] : memref<10000x128xf32, #tpu.memory_space<hbm>> -> memref<10000x128xf32, #tpu.memory_space<hbm>>
          tpu.enqueue_indirect_dma source(%dma_start3A_352 : memref<10000x128xf32, #tpu.memory_space<hbm>>) target(%dma_start3A_342 : memref<128x128xf32, #tpu.memory_space<vmem>>) offsets(%dma_start3A_349 : memref<128xi32, #tpu.memory_space<vmem>>) semaphore(%arg8 : memref<!tpu.dma_semaphore, #tpu.memory_space<semaphore_mem>>)
          %dma_wait3A = arith.constant 0 : i32
          %dma_wait3A_353 = arith.constant 0 : i32
          %dma_wait3A_354 = arith.constant 0 : i32
          %dma_wait3A_355 = tpu.memref_slice %run_scoped3A_20[%rem3A_320, %dma_wait3A_353, %dma_wait3A_354] : memref<2x128x128xf32, #tpu.memory_space<vmem>> -> memref<1x128x128xf32, #tpu.memory_space<vmem>>
          %dma_wait3A_356 = tpu.memref_squeeze %dma_wait3A_355 : memref<1x128x128xf32, #tpu.memory_space<vmem>> -> memref<128x128xf32, #tpu.memory_space<vmem>>
          %dma_wait3A_357 = arith.constant 0 : i32
          %dma_wait3A_358 = arith.constant 0 : i32
          %dma_wait3A_359 = tpu.memref_slice %run_scoped3A[%rem3A_316, %dma_wait3A_357, %dma_wait3A_358] : memref<2x1x128xi32, #tpu.memory_space<vmem>> -> memref<1x1x128xi32, #tpu.memory_space<vmem>>
          %dma_wait3A_360 = tpu.memref_squeeze %dma_wait3A_359 : memref<1x1x128xi32, #tpu.memory_space<vmem>> -> memref<1x128xi32, #tpu.memory_space<vmem>>
          %dma_wait3A_361 = arith.constant 0 : i32
          %dma_wait3A_362 = tpu.memref_slice %dma_wait3A_360[%dma_wait3A, %dma_wait3A_361] : memref<1x128xi32, #tpu.memory_space<vmem>> -> memref<1x128xi32, #tpu.memory_space<vmem>>
          %dma_wait3A_363 = tpu.memref_squeeze %dma_wait3A_362 : memref<1x128xi32, #tpu.memory_space<vmem>> -> memref<128xi32, #tpu.memory_space<vmem>>
          %dma_wait3A_364 = arith.constant 0 : i32
          %dma_wait3A_365 = arith.constant 0 : i32
          %dma_wait3A_366 = tpu.memref_slice %arg2[%dma_wait3A_364, %dma_wait3A_365] : memref<10000x128xf32, #tpu.memory_space<hbm>> -> memref<10000x128xf32, #tpu.memory_space<hbm>>
          tpu.wait_indirect_dma semaphore(%arg7 : memref<!tpu.dma_semaphore, #tpu.memory_space<semaphore_mem>>) src(%dma_wait3A_366 : memref<10000x128xf32, #tpu.memory_space<hbm>>) dst(%dma_wait3A_356 : memref<128x128xf32, #tpu.memory_space<vmem>>)
          %dma_wait3A_367 = arith.constant 0 : i32
          %dma_wait3A_368 = arith.constant 0 : i32
          %dma_wait3A_369 = arith.constant 0 : i32
          %dma_wait3A_370 = tpu.memref_slice %run_scoped3A_22[%rem3A_322, %dma_wait3A_368, %dma_wait3A_369] : memref<2x128x128xf32, #tpu.memory_space<vmem>> -> memref<1x128x128xf32, #tpu.memory_space<vmem>>
          %dma_wait3A_371 = tpu.memref_squeeze %dma_wait3A_370 : memref<1x128x128xf32, #tpu.memory_space<vmem>> -> memref<128x128xf32, #tpu.memory_space<vmem>>
          %dma_wait3A_372 = arith.constant 0 : i32
          %dma_wait3A_373 = arith.constant 0 : i32
          %dma_wait3A_374 = tpu.memref_slice %run_scoped3A_18[%rem3A_318, %dma_wait3A_372, %dma_wait3A_373] : memref<2x1x128xi32, #tpu.memory_space<vmem>> -> memref<1x1x128xi32, #tpu.memory_space<vmem>>
          %dma_wait3A_375 = tpu.memref_squeeze %dma_wait3A_374 : memref<1x1x128xi32, #tpu.memory_space<vmem>> -> memref<1x128xi32, #tpu.memory_space<vmem>>
          %dma_wait3A_376 = arith.constant 0 : i32
          %dma_wait3A_377 = tpu.memref_slice %dma_wait3A_375[%dma_wait3A_367, %dma_wait3A_376] : memref<1x128xi32, #tpu.memory_space<vmem>> -> memref<1x128xi32, #tpu.memory_space<vmem>>
          %dma_wait3A_378 = tpu.memref_squeeze %dma_wait3A_377 : memref<1x128xi32, #tpu.memory_space<vmem>> -> memref<128xi32, #tpu.memory_space<vmem>>
          %dma_wait3A_379 = arith.constant 0 : i32
          %dma_wait3A_380 = arith.constant 0 : i32
          %dma_wait3A_381 = tpu.memref_slice %arg2[%dma_wait3A_379, %dma_wait3A_380] : memref<10000x128xf32, #tpu.memory_space<hbm>> -> memref<10000x128xf32, #tpu.memory_space<hbm>>
          tpu.wait_indirect_dma semaphore(%arg8 : memref<!tpu.dma_semaphore, #tpu.memory_space<semaphore_mem>>) src(%dma_wait3A_381 : memref<10000x128xf32, #tpu.memory_space<hbm>>) dst(%dma_wait3A_371 : memref<128x128xf32, #tpu.memory_space<vmem>>)
          "tpu.trace_stop"() : () -> ()
          %ne3A_382 = arith.cmpi ne, %add3A_197, %add3A_215 : i32
          %or3A_383 = arith.constant false
          %or3A_384 = arith.ori %or3A_383, %ne3A_382 : i1
          %or3A_385 = arith.ori %or3A_384, %eq3A_196 : i1
          %convert_element_type3A_386 = arith.extui %or3A_385 : i1 to i32
          %cond3A_387 = arith.constant 0 : i32
          %cond3A_388 = arith.cmpi ne, %convert_element_type3A_386, %cond3A_387 : i32
          scf.if %cond3A_388 {
          } else {
          }
          %and3A_389 = arith.constant false
          %and3A_390 = arith.andi %or3A_385, %and3A_389 : i1
          %ne3A_391 = arith.cmpi ne, %add3A_197, %add3A_215 : i32
          %or3A_392 = arith.constant false
          %or3A_393 = arith.ori %or3A_392, %ne3A_391 : i1
          %or3A_394 = arith.ori %or3A_393, %eq3A_196 : i1
          %convert_element_type3A_395 = arith.extui %or3A_394 : i1 to i32
          %cond3A_396 = arith.constant 0 : i32
          %cond3A_397 = arith.cmpi ne, %convert_element_type3A_395, %cond3A_396 : i32
          scf.if %cond3A_397 {
          } else {
          }
          %and3A_398 = arith.constant false
          %and3A_399 = arith.andi %or3A_394, %and3A_398 : i1
          %ne3A_400 = arith.cmpi ne, %add3A_197, %add3A_215 : i32
          %or3A_401 = arith.constant false
          %or3A_402 = arith.ori %or3A_401, %ne3A_400 : i1
          %or3A_403 = arith.constant false
          %or3A_404 = arith.ori %or3A_402, %or3A_403 : i1
          %or3A_405 = arith.ori %or3A_404, %eq3A_196 : i1
          %convert_element_type3A_406 = arith.extui %or3A_405 : i1 to i32
          %cond3A_407 = arith.constant 0 : i32
          %cond3A_408 = arith.cmpi ne, %convert_element_type3A_406, %cond3A_407 : i32
          scf.if %cond3A_408 {
            "tpu.trace_start"() <{level = 10 : i32, message = "ep_copy_out"}> : () -> ()
            %rem3A_503 = arith.constant 2 : i32
            %rem3A_504 = arith.remui %while3A_185, %rem3A_503 : i32
            %mul3A_505 = arith.constant 128 : i32
            %mul3A_506 = arith.muli %mul3A_505, %add3A_197 : i32
            %dma_start3A_507 = arith.constant 0 : i32
            %dma_start3A_508 = arith.constant 0 : i32
            %dma_start3A_509 = tpu.memref_slice %run_scoped3A_20[%rem3A_504, %dma_start3A_507, %dma_start3A_508] : memref<2x128x128xf32, #tpu.memory_space<vmem>> -> memref<1x128x128xf32, #tpu.memory_space<vmem>>
            %dma_start3A_510 = tpu.memref_squeeze %dma_start3A_509 : memref<1x128x128xf32, #tpu.memory_space<vmem>> -> memref<128x128xf32, #tpu.memory_space<vmem>>
            %dma_start3A_511 = arith.constant 0 : i32
            %dma_start3A_512 = tpu.memref_slice %arg5[%mul3A_506, %dma_start3A_511] : memref<320000x128xf32, #tpu.memory_space<hbm>> -> memref<128x128xf32, #tpu.memory_space<hbm>>
            %dma_start3A_513 = tpu.memref_slice %run_scoped3A_21[%rem3A_504] : memref<2x!tpu.dma_semaphore, #tpu.memory_space<semaphore_mem>> -> memref<1x!tpu.dma_semaphore, #tpu.memory_space<semaphore_mem>>
            %dma_start3A_514 = tpu.memref_squeeze %dma_start3A_513 : memref<1x!tpu.dma_semaphore, #tpu.memory_space<semaphore_mem>> -> memref<!tpu.dma_semaphore, #tpu.memory_space<semaphore_mem>>
            %dma_start3A_515 = arith.constant 0 : i32
            %dma_start3A_516 = tpu.memref_slice %arg5[%mul3A_506, %dma_start3A_515] : memref<320000x128xf32, #tpu.memory_space<hbm>> -> memref<128x128xf32, #tpu.memory_space<hbm>>
            %dma_start3A_517 = arith.constant 0 : i32
            %dma_start3A_518 = arith.constant 0 : i32
            %dma_start3A_519 = tpu.memref_slice %run_scoped3A_20[%rem3A_504, %dma_start3A_517, %dma_start3A_518] : memref<2x128x128xf32, #tpu.memory_space<vmem>> -> memref<1x128x128xf32, #tpu.memory_space<vmem>>
            %dma_start3A_520 = tpu.memref_squeeze %dma_start3A_519 : memref<1x128x128xf32, #tpu.memory_space<vmem>> -> memref<128x128xf32, #tpu.memory_space<vmem>>
            tpu.enqueue_dma source(%dma_start3A_520 : memref<128x128xf32, #tpu.memory_space<vmem>>) target(%dma_start3A_516 : memref<128x128xf32, #tpu.memory_space<hbm>>) target_semaphore(%dma_start3A_514 : memref<!tpu.dma_semaphore, #tpu.memory_space<semaphore_mem>>)
            "tpu.trace_stop"() : () -> ()
          } else {
          }
          %and3A_409 = arith.constant true
          %and3A_410 = arith.andi %or3A_405, %and3A_409 : i1
          %add3A_411 = arith.constant 1 : i32
          %add3A_412 = arith.addi %while3A_185, %add3A_411 : i32
          %select_n3A_413 = arith.select %and3A_410, %add3A_412, %while3A_185 : i32
          %ne3A_414 = arith.cmpi ne, %add3A_197, %add3A_215 : i32
          %or3A_415 = arith.constant false
          %or3A_416 = arith.ori %or3A_415, %ne3A_414 : i1
          %or3A_417 = arith.constant false
          %or3A_418 = arith.ori %or3A_416, %or3A_417 : i1
          %or3A_419 = arith.ori %or3A_418, %eq3A_196 : i1
          %convert_element_type3A_420 = arith.extui %or3A_419 : i1 to i32
          %cond3A_421 = arith.constant 0 : i32
          %cond3A_422 = arith.cmpi ne, %convert_element_type3A_420, %cond3A_421 : i32
          scf.if %cond3A_422 {
            "tpu.trace_start"() <{level = 10 : i32, message = "ep_copy_out"}> : () -> ()
            %rem3A_503 = arith.constant 2 : i32
            %rem3A_504 = arith.remui %while3A_187, %rem3A_503 : i32
            %mul3A_505 = arith.constant 128 : i32
            %mul3A_506 = arith.muli %mul3A_505, %add3A_197 : i32
            %dma_start3A_507 = arith.constant 0 : i32
            %dma_start3A_508 = arith.constant 0 : i32
            %dma_start3A_509 = tpu.memref_slice %run_scoped3A_22[%rem3A_504, %dma_start3A_507, %dma_start3A_508] : memref<2x128x128xf32, #tpu.memory_space<vmem>> -> memref<1x128x128xf32, #tpu.memory_space<vmem>>
            %dma_start3A_510 = tpu.memref_squeeze %dma_start3A_509 : memref<1x128x128xf32, #tpu.memory_space<vmem>> -> memref<128x128xf32, #tpu.memory_space<vmem>>
            %dma_start3A_511 = arith.constant 0 : i32
            %dma_start3A_512 = tpu.memref_slice %arg6[%mul3A_506, %dma_start3A_511] : memref<320000x128xf32, #tpu.memory_space<hbm>> -> memref<128x128xf32, #tpu.memory_space<hbm>>
            %dma_start3A_513 = tpu.memref_slice %run_scoped3A_23[%rem3A_504] : memref<2x!tpu.dma_semaphore, #tpu.memory_space<semaphore_mem>> -> memref<1x!tpu.dma_semaphore, #tpu.memory_space<semaphore_mem>>
            %dma_start3A_514 = tpu.memref_squeeze %dma_start3A_513 : memref<1x!tpu.dma_semaphore, #tpu.memory_space<semaphore_mem>> -> memref<!tpu.dma_semaphore, #tpu.memory_space<semaphore_mem>>
            %dma_start3A_515 = arith.constant 0 : i32
            %dma_start3A_516 = tpu.memref_slice %arg6[%mul3A_506, %dma_start3A_515] : memref<320000x128xf32, #tpu.memory_space<hbm>> -> memref<128x128xf32, #tpu.memory_space<hbm>>
            %dma_start3A_517 = arith.constant 0 : i32
            %dma_start3A_518 = arith.constant 0 : i32
            %dma_start3A_519 = tpu.memref_slice %run_scoped3A_22[%rem3A_504, %dma_start3A_517, %dma_start3A_518] : memref<2x128x128xf32, #tpu.memory_space<vmem>> -> memref<1x128x128xf32, #tpu.memory_space<vmem>>
            %dma_start3A_520 = tpu.memref_squeeze %dma_start3A_519 : memref<1x128x128xf32, #tpu.memory_space<vmem>> -> memref<128x128xf32, #tpu.memory_space<vmem>>
            tpu.enqueue_dma source(%dma_start3A_520 : memref<128x128xf32, #tpu.memory_space<vmem>>) target(%dma_start3A_516 : memref<128x128xf32, #tpu.memory_space<hbm>>) target_semaphore(%dma_start3A_514 : memref<!tpu.dma_semaphore, #tpu.memory_space<semaphore_mem>>)
            "tpu.trace_stop"() : () -> ()
          } else {
          }
          %and3A_423 = arith.constant true
          %and3A_424 = arith.andi %or3A_419, %and3A_423 : i1
          %add3A_425 = arith.constant 1 : i32
          %add3A_426 = arith.addi %while3A_187, %add3A_425 : i32
          %select_n3A_427 = arith.select %and3A_424, %add3A_426, %while3A_187 : i32
          %ne3A_428 = arith.cmpi ne, %add3A_197, %add3A_207 : i32
          %or3A_429 = arith.constant false
          %or3A_430 = arith.ori %or3A_429, %ne3A_428 : i1
          %not3A_431 = arith.constant true
          %not3A_432 = arith.xori %eq3A_193, %not3A_431 : i1
          %and3A_433 = arith.andi %or3A_430, %not3A_432 : i1
          %convert_element_type3A_434 = arith.extui %and3A_433 : i1 to i32
          %cond3A_435 = arith.constant 0 : i32
          %cond3A_436 = arith.cmpi ne, %convert_element_type3A_434, %cond3A_435 : i32
          scf.if %cond3A_436 {
          } else {
          }
          %and3A_437 = arith.constant false
          %and3A_438 = arith.andi %and3A_433, %and3A_437 : i1
          %ne3A_439 = arith.cmpi ne, %add3A_197, %add3A_207 : i32
          %or3A_440 = arith.constant false
          %or3A_441 = arith.ori %or3A_440, %ne3A_439 : i1
          %not3A_442 = arith.constant true
          %not3A_443 = arith.xori %eq3A_193, %not3A_442 : i1
          %and3A_444 = arith.andi %or3A_441, %not3A_443 : i1
          %convert_element_type3A_445 = arith.extui %and3A_444 : i1 to i32
          %cond3A_446 = arith.constant 0 : i32
          %cond3A_447 = arith.cmpi ne, %convert_element_type3A_445, %cond3A_446 : i32
          scf.if %cond3A_447 {
          } else {
          }
          %and3A_448 = arith.constant false
          %and3A_449 = arith.andi %and3A_444, %and3A_448 : i1
          %ne3A_450 = arith.cmpi ne, %add3A_197, %add3A_207 : i32
          %or3A_451 = arith.constant false
          %or3A_452 = arith.ori %or3A_451, %ne3A_450 : i1
          %or3A_453 = arith.constant false
          %or3A_454 = arith.ori %or3A_452, %or3A_453 : i1
          %not3A_455 = arith.constant true
          %not3A_456 = arith.xori %eq3A_193, %not3A_455 : i1
          %and3A_457 = arith.andi %or3A_454, %not3A_456 : i1
          %convert_element_type3A_458 = arith.extui %and3A_457 : i1 to i32
          %cond3A_459 = arith.constant 0 : i32
          %cond3A_460 = arith.cmpi ne, %convert_element_type3A_458, %cond3A_459 : i32
          scf.if %cond3A_460 {
            "tpu.trace_start"() <{level = 10 : i32, message = "ep_wait_out"}> : () -> ()
            %rem3A_503 = arith.constant 2 : i32
            %rem3A_504 = arith.remui %while3A_186, %rem3A_503 : i32
            %mul3A_505 = arith.constant 128 : i32
            %mul3A_506 = arith.muli %mul3A_505, %add3A_207 : i32
            %dma_wait3A_507 = arith.constant 0 : i32
            %dma_wait3A_508 = arith.constant 0 : i32
            %dma_wait3A_509 = tpu.memref_slice %run_scoped3A_20[%rem3A_504, %dma_wait3A_507, %dma_wait3A_508] : memref<2x128x128xf32, #tpu.memory_space<vmem>> -> memref<1x128x128xf32, #tpu.memory_space<vmem>>
            %dma_wait3A_510 = tpu.memref_squeeze %dma_wait3A_509 : memref<1x128x128xf32, #tpu.memory_space<vmem>> -> memref<128x128xf32, #tpu.memory_space<vmem>>
            %dma_wait3A_511 = arith.constant 0 : i32
            %dma_wait3A_512 = tpu.memref_slice %arg5[%mul3A_506, %dma_wait3A_511] : memref<320000x128xf32, #tpu.memory_space<hbm>> -> memref<128x128xf32, #tpu.memory_space<hbm>>
            %dma_wait3A_513 = tpu.memref_slice %run_scoped3A_21[%rem3A_504] : memref<2x!tpu.dma_semaphore, #tpu.memory_space<semaphore_mem>> -> memref<1x!tpu.dma_semaphore, #tpu.memory_space<semaphore_mem>>
            %dma_wait3A_514 = tpu.memref_squeeze %dma_wait3A_513 : memref<1x!tpu.dma_semaphore, #tpu.memory_space<semaphore_mem>> -> memref<!tpu.dma_semaphore, #tpu.memory_space<semaphore_mem>>
            %dma_wait3A_515 = arith.constant 0 : i32
            %dma_wait3A_516 = tpu.memref_slice %arg5[%mul3A_506, %dma_wait3A_515] : memref<320000x128xf32, #tpu.memory_space<hbm>> -> memref<128x128xf32, #tpu.memory_space<hbm>>
            %dma_wait3A_517 = arith.constant 0 : i32
            %dma_wait3A_518 = arith.constant 0 : i32
            %dma_wait3A_519 = tpu.memref_slice %run_scoped3A_20[%rem3A_504, %dma_wait3A_517, %dma_wait3A_518] : memref<2x128x128xf32, #tpu.memory_space<vmem>> -> memref<1x128x128xf32, #tpu.memory_space<vmem>>
            %dma_wait3A_520 = tpu.memref_squeeze %dma_wait3A_519 : memref<1x128x128xf32, #tpu.memory_space<vmem>> -> memref<128x128xf32, #tpu.memory_space<vmem>>
            tpu.wait_dma2 semaphore(%dma_wait3A_514 : memref<!tpu.dma_semaphore, #tpu.memory_space<semaphore_mem>>) src(%dma_wait3A_520 : memref<128x128xf32, #tpu.memory_space<vmem>>) dst(%dma_wait3A_516 : memref<128x128xf32, #tpu.memory_space<hbm>>)
            "tpu.trace_stop"() : () -> ()
          } else {
          }
          %and3A_461 = arith.constant true
          %and3A_462 = arith.andi %and3A_457, %and3A_461 : i1
          %add3A_463 = arith.constant 1 : i32
          %add3A_464 = arith.addi %while3A_186, %add3A_463 : i32
          %select_n3A_465 = arith.select %and3A_462, %add3A_464, %while3A_186 : i32
          %ne3A_466 = arith.cmpi ne, %add3A_197, %add3A_207 : i32
          %or3A_467 = arith.constant false
          %or3A_468 = arith.ori %or3A_467, %ne3A_466 : i1
          %or3A_469 = arith.constant false
          %or3A_470 = arith.ori %or3A_468, %or3A_469 : i1
          %not3A_471 = arith.constant true
          %not3A_472 = arith.xori %eq3A_193, %not3A_471 : i1
          %and3A_473 = arith.andi %or3A_470, %not3A_472 : i1
          %convert_element_type3A_474 = arith.extui %and3A_473 : i1 to i32
          %cond3A_475 = arith.constant 0 : i32
          %cond3A_476 = arith.cmpi ne, %convert_element_type3A_474, %cond3A_475 : i32
          scf.if %cond3A_476 {
            "tpu.trace_start"() <{level = 10 : i32, message = "ep_wait_out"}> : () -> ()
            %rem3A_503 = arith.constant 2 : i32
            %rem3A_504 = arith.remui %while3A_188, %rem3A_503 : i32
            %mul3A_505 = arith.constant 128 : i32
            %mul3A_506 = arith.muli %mul3A_505, %add3A_207 : i32
            %dma_wait3A_507 = arith.constant 0 : i32
            %dma_wait3A_508 = arith.constant 0 : i32
            %dma_wait3A_509 = tpu.memref_slice %run_scoped3A_22[%rem3A_504, %dma_wait3A_507, %dma_wait3A_508] : memref<2x128x128xf32, #tpu.memory_space<vmem>> -> memref<1x128x128xf32, #tpu.memory_space<vmem>>
            %dma_wait3A_510 = tpu.memref_squeeze %dma_wait3A_509 : memref<1x128x128xf32, #tpu.memory_space<vmem>> -> memref<128x128xf32, #tpu.memory_space<vmem>>
            %dma_wait3A_511 = arith.constant 0 : i32
            %dma_wait3A_512 = tpu.memref_slice %arg6[%mul3A_506, %dma_wait3A_511] : memref<320000x128xf32, #tpu.memory_space<hbm>> -> memref<128x128xf32, #tpu.memory_space<hbm>>
            %dma_wait3A_513 = tpu.memref_slice %run_scoped3A_23[%rem3A_504] : memref<2x!tpu.dma_semaphore, #tpu.memory_space<semaphore_mem>> -> memref<1x!tpu.dma_semaphore, #tpu.memory_space<semaphore_mem>>
            %dma_wait3A_514 = tpu.memref_squeeze %dma_wait3A_513 : memref<1x!tpu.dma_semaphore, #tpu.memory_space<semaphore_mem>> -> memref<!tpu.dma_semaphore, #tpu.memory_space<semaphore_mem>>
            %dma_wait3A_515 = arith.constant 0 : i32
            %dma_wait3A_516 = tpu.memref_slice %arg6[%mul3A_506, %dma_wait3A_515] : memref<320000x128xf32, #tpu.memory_space<hbm>> -> memref<128x128xf32, #tpu.memory_space<hbm>>
            %dma_wait3A_517 = arith.constant 0 : i32
            %dma_wait3A_518 = arith.constant 0 : i32
            %dma_wait3A_519 = tpu.memref_slice %run_scoped3A_22[%rem3A_504, %dma_wait3A_517, %dma_wait3A_518] : memref<2x128x128xf32, #tpu.memory_space<vmem>> -> memref<1x128x128xf32, #tpu.memory_space<vmem>>
            %dma_wait3A_520 = tpu.memref_squeeze %dma_wait3A_519 : memref<1x128x128xf32, #tpu.memory_space<vmem>> -> memref<128x128xf32, #tpu.memory_space<vmem>>
            tpu.wait_dma2 semaphore(%dma_wait3A_514 : memref<!tpu.dma_semaphore, #tpu.memory_space<semaphore_mem>>) src(%dma_wait3A_520 : memref<128x128xf32, #tpu.memory_space<vmem>>) dst(%dma_wait3A_516 : memref<128x128xf32, #tpu.memory_space<hbm>>)
            "tpu.trace_stop"() : () -> ()
          } else {
          }
          %and3A_477 = arith.constant true
          %and3A_478 = arith.andi %and3A_473, %and3A_477 : i1
          %add3A_479 = arith.constant 1 : i32
          %add3A_480 = arith.addi %while3A_188, %add3A_479 : i32
          %select_n3A_481 = arith.select %and3A_478, %add3A_480, %while3A_188 : i32
          %ne3A_482 = arith.cmpi ne, %add3A_197, %add3A_215 : i32
          %or3A_483 = arith.constant false
          %or3A_484 = arith.ori %or3A_483, %ne3A_482 : i1
          %or3A_485 = arith.ori %or3A_484, %eq3A_196 : i1
          %add3A_486 = arith.constant 1 : i32
          %add3A_487 = arith.addi %while3A_182, %add3A_486 : i32
          %select_n3A_488 = arith.select %or3A_485, %add3A_487, %while3A_182 : i32
          %ne3A_489 = arith.cmpi ne, %add3A_197, %add3A_215 : i32
          %or3A_490 = arith.constant false
          %or3A_491 = arith.ori %or3A_490, %ne3A_489 : i1
          %or3A_492 = arith.ori %or3A_491, %eq3A_196 : i1
          %add3A_493 = arith.constant 1 : i32
          %add3A_494 = arith.addi %while3A_184, %add3A_493 : i32
          %select_n3A_495 = arith.select %or3A_492, %add3A_494, %while3A_184 : i32
          %add3A_496 = arith.constant 1 : i32
          %add3A_497 = arith.addi %while3A_189, %add3A_496 : i32
          %select_n3A_498 = arith.constant true
          %select_n3A_499 = arith.select %select_n3A_498, %add3A_497, %while3A_189 : i32
          %eq3A_500 = arith.cmpi eq, %select_n3A_499, %select_n3A : i32
          %select_n3A_501 = arith.constant 0 : i32
          %select_n3A_502 = arith.select %eq3A_500, %select_n3A_501, %select_n3A_499 : i32
          scf.yield %select_n3A_237, %select_n3A_488, %select_n3A_256, %select_n3A_495, %select_n3A_413, %select_n3A_465, %select_n3A_427, %select_n3A_481, %select_n3A_502 : i32, i32, i32, i32, i32, i32, i32, i32, i32
        }
        %sub3A_123 = arith.constant 1 : i32
        %sub3A_124 = arith.subi %while3A_122#8, %sub3A_123 : i32
        %select_n3A_125 = arith.constant true
        %select_n3A_126 = arith.select %select_n3A_125, %sub3A_124, %while3A_122#8 : i32
        %eq3A_127 = arith.constant -1 : i32
        %eq3A_128 = arith.cmpi eq, %select_n3A_126, %eq3A_127 : i32
        %sub3A_129 = arith.constant 1 : i32
        %sub3A_130 = arith.subi %select_n3A, %sub3A_129 : i32
        %select_n3A_131 = arith.select %eq3A_128, %sub3A_130, %select_n3A_126 : i32
        %sub3A_132 = arith.constant 1 : i32
        %sub3A_133 = arith.subi %mul3A_16, %sub3A_132 : i32
        %mul3A_134 = arith.constant 1 : i32
        %mul3A_135 = arith.muli %mul3A_134, %select_n3A : i32
        %eq3A_136 = arith.constant 0 : i32
        %eq3A_137 = arith.cmpi eq, %sub3A_133, %eq3A_136 : i32
        %sub3A_138 = arith.constant 1 : i32
        %sub3A_139 = arith.subi %mul3A_135, %sub3A_138 : i32
        %eq3A_140 = arith.cmpi eq, %sub3A_133, %sub3A_139 : i32
        %add3A_141 = arith.addi %select_n3A_131, %select_n3A_14 : i32
        %sub3A_142 = arith.constant 1 : i32
        %sub3A_143 = arith.subi %select_n3A_131, %sub3A_142 : i32
        %select_n3A_144 = arith.constant true
        %select_n3A_145 = arith.select %select_n3A_144, %sub3A_143, %select_n3A_131 : i32
        %eq3A_146 = arith.constant -1 : i32
        %eq3A_147 = arith.cmpi eq, %select_n3A_145, %eq3A_146 : i32
        %sub3A_148 = arith.constant 1 : i32
        %sub3A_149 = arith.subi %select_n3A, %sub3A_148 : i32
        %select_n3A_150 = arith.select %eq3A_147, %sub3A_149, %select_n3A_145 : i32
        %add3A_151 = arith.addi %select_n3A_150, %select_n3A_14 : i32
        %add3A_152 = arith.constant 1 : i32
        %add3A_153 = arith.addi %select_n3A_131, %add3A_152 : i32
        %select_n3A_154 = arith.constant true
        %select_n3A_155 = arith.select %select_n3A_154, %add3A_153, %select_n3A_131 : i32
        %eq3A_156 = arith.cmpi eq, %select_n3A_155, %select_n3A : i32
        %select_n3A_157 = arith.constant 0 : i32
        %select_n3A_158 = arith.select %eq3A_156, %select_n3A_157, %select_n3A_155 : i32
        %add3A_159 = arith.addi %select_n3A_158, %select_n3A_14 : i32
        %add3A_160 = arith.constant 1 : i32
        %add3A_161 = arith.addi %select_n3A_158, %add3A_160 : i32
        %select_n3A_162 = arith.constant true
        %select_n3A_163 = arith.select %select_n3A_162, %add3A_161, %select_n3A_158 : i32
        %eq3A_164 = arith.cmpi eq, %select_n3A_163, %select_n3A : i32
        %select_n3A_165 = arith.constant 0 : i32
        %select_n3A_166 = arith.select %eq3A_164, %select_n3A_165, %select_n3A_163 : i32
        %add3A_167 = arith.addi %select_n3A_166, %select_n3A_14 : i32
        %convert_element_type3A_168 = arith.extui %eq3A_140 : i1 to i32
        %cond3A_169 = arith.constant 0 : i32
        %cond3A_170 = arith.cmpi ne, %convert_element_type3A_168, %cond3A_169 : i32
        scf.if %cond3A_170 {
        } else {
        }
        %convert_element_type3A_171 = arith.extui %eq3A_140 : i1 to i32
        %cond3A_172 = arith.constant 0 : i32
        %cond3A_173 = arith.cmpi ne, %convert_element_type3A_171, %cond3A_172 : i32
        scf.if %cond3A_173 {
        } else {
        }
        %convert_element_type3A_174 = arith.extui %eq3A_140 : i1 to i32
        %cond3A_175 = arith.constant 0 : i32
        %cond3A_176 = arith.cmpi ne, %convert_element_type3A_174, %cond3A_175 : i32
        scf.if %cond3A_176 {
          "tpu.trace_start"() <{level = 10 : i32, message = "ep_finalize"}> : () -> ()
          %rem3A_180 = arith.constant 2 : i32
          %rem3A_181 = arith.remui %while3A_122#5, %rem3A_180 : i32
          %mul3A_182 = arith.constant 128 : i32
          %mul3A_183 = arith.muli %mul3A_182, %add3A_141 : i32
          %dma_wait3A = arith.constant 0 : i32
          %dma_wait3A_184 = arith.constant 0 : i32
          %dma_wait3A_185 = tpu.memref_slice %run_scoped3A_20[%rem3A_181, %dma_wait3A, %dma_wait3A_184] : memref<2x128x128xf32, #tpu.memory_space<vmem>> -> memref<1x128x128xf32, #tpu.memory_space<vmem>>
          %dma_wait3A_186 = tpu.memref_squeeze %dma_wait3A_185 : memref<1x128x128xf32, #tpu.memory_space<vmem>> -> memref<128x128xf32, #tpu.memory_space<vmem>>
          %dma_wait3A_187 = arith.constant 0 : i32
          %dma_wait3A_188 = tpu.memref_slice %arg5[%mul3A_183, %dma_wait3A_187] : memref<320000x128xf32, #tpu.memory_space<hbm>> -> memref<128x128xf32, #tpu.memory_space<hbm>>
          %dma_wait3A_189 = tpu.memref_slice %run_scoped3A_21[%rem3A_181] : memref<2x!tpu.dma_semaphore, #tpu.memory_space<semaphore_mem>> -> memref<1x!tpu.dma_semaphore, #tpu.memory_space<semaphore_mem>>
          %dma_wait3A_190 = tpu.memref_squeeze %dma_wait3A_189 : memref<1x!tpu.dma_semaphore, #tpu.memory_space<semaphore_mem>> -> memref<!tpu.dma_semaphore, #tpu.memory_space<semaphore_mem>>
          %dma_wait3A_191 = arith.constant 0 : i32
          %dma_wait3A_192 = tpu.memref_slice %arg5[%mul3A_183, %dma_wait3A_191] : memref<320000x128xf32, #tpu.memory_space<hbm>> -> memref<128x128xf32, #tpu.memory_space<hbm>>
          %dma_wait3A_193 = arith.constant 0 : i32
          %dma_wait3A_194 = arith.constant 0 : i32
          %dma_wait3A_195 = tpu.memref_slice %run_scoped3A_20[%rem3A_181, %dma_wait3A_193, %dma_wait3A_194] : memref<2x128x128xf32, #tpu.memory_space<vmem>> -> memref<1x128x128xf32, #tpu.memory_space<vmem>>
          %dma_wait3A_196 = tpu.memref_squeeze %dma_wait3A_195 : memref<1x128x128xf32, #tpu.memory_space<vmem>> -> memref<128x128xf32, #tpu.memory_space<vmem>>
          tpu.wait_dma2 semaphore(%dma_wait3A_190 : memref<!tpu.dma_semaphore, #tpu.memory_space<semaphore_mem>>) src(%dma_wait3A_196 : memref<128x128xf32, #tpu.memory_space<vmem>>) dst(%dma_wait3A_192 : memref<128x128xf32, #tpu.memory_space<hbm>>)
          "tpu.trace_stop"() : () -> ()
        } else {
        }
        %convert_element_type3A_177 = arith.extui %eq3A_140 : i1 to i32
        %cond3A_178 = arith.constant 0 : i32
        %cond3A_179 = arith.cmpi ne, %convert_element_type3A_177, %cond3A_178 : i32
        scf.if %cond3A_179 {
          "tpu.trace_start"() <{level = 10 : i32, message = "ep_finalize"}> : () -> ()
          %rem3A_180 = arith.constant 2 : i32
          %rem3A_181 = arith.remui %while3A_122#7, %rem3A_180 : i32
          %mul3A_182 = arith.constant 128 : i32
          %mul3A_183 = arith.muli %mul3A_182, %add3A_141 : i32
          %dma_wait3A = arith.constant 0 : i32
          %dma_wait3A_184 = arith.constant 0 : i32
          %dma_wait3A_185 = tpu.memref_slice %run_scoped3A_22[%rem3A_181, %dma_wait3A, %dma_wait3A_184] : memref<2x128x128xf32, #tpu.memory_space<vmem>> -> memref<1x128x128xf32, #tpu.memory_space<vmem>>
          %dma_wait3A_186 = tpu.memref_squeeze %dma_wait3A_185 : memref<1x128x128xf32, #tpu.memory_space<vmem>> -> memref<128x128xf32, #tpu.memory_space<vmem>>
          %dma_wait3A_187 = arith.constant 0 : i32
          %dma_wait3A_188 = tpu.memref_slice %arg6[%mul3A_183, %dma_wait3A_187] : memref<320000x128xf32, #tpu.memory_space<hbm>> -> memref<128x128xf32, #tpu.memory_space<hbm>>
          %dma_wait3A_189 = tpu.memref_slice %run_scoped3A_23[%rem3A_181] : memref<2x!tpu.dma_semaphore, #tpu.memory_space<semaphore_mem>> -> memref<1x!tpu.dma_semaphore, #tpu.memory_space<semaphore_mem>>
          %dma_wait3A_190 = tpu.memref_squeeze %dma_wait3A_189 : memref<1x!tpu.dma_semaphore, #tpu.memory_space<semaphore_mem>> -> memref<!tpu.dma_semaphore, #tpu.memory_space<semaphore_mem>>
          %dma_wait3A_191 = arith.constant 0 : i32
          %dma_wait3A_192 = tpu.memref_slice %arg6[%mul3A_183, %dma_wait3A_191] : memref<320000x128xf32, #tpu.memory_space<hbm>> -> memref<128x128xf32, #tpu.memory_space<hbm>>
          %dma_wait3A_193 = arith.constant 0 : i32
          %dma_wait3A_194 = arith.constant 0 : i32
          %dma_wait3A_195 = tpu.memref_slice %run_scoped3A_22[%rem3A_181, %dma_wait3A_193, %dma_wait3A_194] : memref<2x128x128xf32, #tpu.memory_space<vmem>> -> memref<1x128x128xf32, #tpu.memory_space<vmem>>
          %dma_wait3A_196 = tpu.memref_squeeze %dma_wait3A_195 : memref<1x128x128xf32, #tpu.memory_space<vmem>> -> memref<128x128xf32, #tpu.memory_space<vmem>>
          tpu.wait_dma2 semaphore(%dma_wait3A_190 : memref<!tpu.dma_semaphore, #tpu.memory_space<semaphore_mem>>) src(%dma_wait3A_196 : memref<128x128xf32, #tpu.memory_space<vmem>>) dst(%dma_wait3A_192 : memref<128x128xf32, #tpu.memory_space<hbm>>)
          "tpu.trace_stop"() : () -> ()
        } else {
        }
      } else {
      }
      tpu.yield
    }) : () -> ()
    return
  }
}

</mosaic_0001>

<sc_bundles>
// kernel: _sc_gather.3.cloned.1.call-start
scs
__scs_entry_jumppad:
0x0: {  	(pc) =	sbr.rel $0x88, $3  }
0x1: {  	(tag) =	ssettag $0x0;
	lr =	simm.s32 $0x1  }
0x2: {  	[smem:$0x3F9E] =	sst lr;
	_ =	strace $0xD0000000  }
0x3: {  	_ = 	snop  }
0x4: {  	_ = 	snop  }
0x5: {  	_ = 	snop  }
0x6: {  	_ = 	snop  }
0x7: {  	_ = 	snop  }
__scs_overlays_trampoline_lowered:
0x8: {  	[smem:$0x3FAD] =	sst s0  }
0x9: {  	[smem:$0x3FAE] =	sst s1  }
0xa: {  	[smem:$0x3FAF] =	sst s2  }
0xb: {  	[smem:$0x3FB0] =	sst s3  }
0xc: {  	[smem:$0x3FB1] =	sst s4  }
0xd: {  	[smem:$0x3FB2] =	sst s5  }
0xe: {  	[smem:$0x3FB3] =	sst s6  }
0xf: {  	[smem:$0x3FB4] =	sst s7  }
0x10: {  	[smem:$0x3FB5] =	sst s8  }
0x11: {  	[smem:$0x3FB6] =	sst s9;
	s0 =	simm.s32 @!p0 $0x0  }
0x12: {  	s1 =	sld [smem:$0x3F9C];
	s0 =	simm.s32 @p0 $0x1  }
0x13: {  	[smem:$0x3FB7] =	sst s0;
	s0 =	simm.s32 @!p1 $0x0  }
0x14: {  	s2 =	sld [smem:$0x3F9B];
	s0 =	simm.s32 @p1 $0x1  }
0x15: {  	[smem:$0x3FB8] =	sst s0;
	s0 =	simm.s32 @!p2 $0x0  }
0x16: {  	s3 =	sld [smem:$0x3FDB];
	s0 =	simm.s32 @p2 $0x1  }
0x17: {  	s4 =	simm.s32 $0x1BF5;
	[smem:$0x3FBA] =	sst s0  }
0x18: {  	s0 =	sld [smem:$0x3F9D];
	_ =	swait.ge [sflag:s4], $0x0  }
0x19: {  	s7 =	sld [smem:$0x3F9E]  }
0x1a: {  	s8 =	sadd.s32 $0xFFFFE003, lr  }
0x1b: {  	s9 =	sadd.s32 $0xFFFFFEF7, lr;
	s5 =	simm.s32 $0xFFFFFFFF;
	p2 =	slt.u32 s8, $0xFFFFF086  }
0x1c: {  	p1 =	slt.u32 s9, $0xF7A;
	s5 =	simm.s32 @!p2 $0x0  }
0x1d: {  	s5 =	simm.s32 @p1 $0x1;
	p0 =	seq.s32 s7, s2  }
0x1e: {  	s7 =	smul.u32 @!p0 $0xF7A, s2;
	p2 =	seq.s32 @!p0 s5, $0x0  }
0x1f: {  	s9 =	smul.u32 $0xF7A, s1;
	s8 =	simm.s32 @!p0 $0x1BF5;
	p2 =	por !p2, p0  }
0x20: {  	[sflag:s8] =	ssyncset.s32 @!p0 $0xFFFFF086;
	s6 =	sadd.s32 @!p0 s3, s7;
	s7 =	simm.s32 @!p0 $0x108  }
0x21: {  	s3 =	sadd.s32 s3, s9;
	s6 =	sadd.s32 @!p0 $0x88, s6;
	s7 =	simm.s32 @p2 $0x1082  }
0x22: {  	[simem:s7], [sflag:s8] =	dma.local @!p0 [hbm:s6], $0xF7A  }
0x23: {  	s9 =	sor.u32 $0xD0000000, s2;
	s6 =	simm.s32 $0x108;
	_ =	swait.ge @!p0 [sflag:s8], $0x0  }
0x24: {  	s3 =	sadd.s32 $0x88, s3;
	s6 =	simm.s32 @!p1 $0x1082;
	[sflag:s4] =	ssyncset.s32 $0xFFFFF086  }
0x25: {  	[simem:s6], [sflag:s4] =	dma.local [hbm:s3], $0xF7A  }
0x26: {  	[smem:$0x3F9E] =	sst s1;
	(tag) =	ssettag s2;
	_ =	strace s9  }
0x27: {  	s1 =	sld [smem:$0x3FAE]  }
0x28: {  	s2 =	sld [smem:$0x3FAF]  }
0x29: {  	s4 =	sld [smem:$0x3FB1]  }
0x2a: {  	p0 =	seq.s32 s5, $0x0;
	s5 =	sld [smem:$0x3FB2]  }
0x2b: {  	s6 =	sld [smem:$0x3FB3]  }
0x2c: {  	s7 =	sld [smem:$0x3FB4]  }
0x2d: {  	s3 =	simm.s32 $0x108;
	s8 =	sld [smem:$0x3FB5]  }
0x2e: {  	s3 =	simm.s32 @!p0 $0x1082;
	s9 =	sld [smem:$0x3FB6]  }
0x2f: {  	lr =	sadd.s32 s0, s3;
	s0 =	sld [smem:$0x3FAD]  }
0x30: {  	s3 =	sld [smem:$0x3FB0]  }
0x31: {  	[smem:$0x3FB9] =	sst s10  }
0x32: {  	s10 =	sld [smem:$0x3FB7];
	_ =	sdelay $0x3  }
0x33: {  	p0 =	seq.s32 s10, $0x1;
	s10 =	sld [smem:$0x3FB9];
	_ =	sdelay $0x3  }
0x34: {  	[smem:$0x3FB9] =	sst s10  }
0x35: {  	s10 =	sld [smem:$0x3FB8];
	_ =	sdelay $0x3  }
0x36: {  	p1 =	seq.s32 s10, $0x1;
	s10 =	sld [smem:$0x3FB9];
	_ =	sdelay $0x3  }
0x37: {  	[smem:$0x3FB9] =	sst s10  }
0x38: {  	s10 =	sld [smem:$0x3FBA]  }
0x39: {  	_ = 	snop;
	(pc) =	sbr.ind lr, $3  }
0x3a: {  	_ = 	snop  }
0x3b: {  	_ = 	snop  }
0x3c: {  	p2 =	seq.s32 s10, $0x1;
	s10 =	sld [smem:$0x3FB9]  }
0x3d: {  	_ =	shalt  }
0x3e: {  	_ =	shalt  }
0x3f: {  	_ =	shalt  }
0x40: {  	_ =	shalt  }
0x41: {  	_ =	shalt  }
0x42: {  	_ =	shalt  }
0x43: {  	_ =	shalt  }
0x44: {  	_ =	shalt  }
0x45: {  	_ =	shalt  }
0x46: {  	_ =	shalt  }
0x47: {  	_ =	shalt  }
0x48: {  	_ =	shalt  }
0x49: {  	_ =	shalt  }
0x4a: {  	_ =	shalt  }
0x4b: {  	_ =	shalt  }
0x4c: {  	_ =	shalt  }
0x4d: {  	_ =	shalt  }
0x4e: {  	_ =	shalt  }
0x4f: {  	_ =	shalt  }
0x50: {  	_ =	shalt  }
0x51: {  	_ =	shalt  }
0x52: {  	_ =	shalt  }
0x53: {  	_ =	shalt  }
0x54: {  	_ =	shalt  }
0x55: {  	_ =	shalt  }
0x56: {  	_ =	shalt  }
0x57: {  	_ =	shalt  }
0x58: {  	_ =	shalt  }
0x59: {  	_ =	shalt  }
0x5a: {  	_ =	shalt  }
0x5b: {  	_ =	shalt  }
0x5c: {  	_ =	shalt  }
0x5d: {  	_ =	shalt  }
0x5e: {  	_ =	shalt  }
0x5f: {  	_ =	shalt  }
0x60: {  	_ =	shalt  }
0x61: {  	_ =	shalt  }
0x62: {  	_ =	shalt  }
0x63: {  	_ =	shalt  }
0x64: {  	_ =	shalt  }
0x65: {  	_ =	shalt  }
0x66: {  	_ =	shalt  }
0x67: {  	_ =	shalt  }
0x68: {  	_ =	shalt  }
0x69: {  	_ =	shalt  }
0x6a: {  	_ =	shalt  }
0x6b: {  	_ =	shalt  }
0x6c: {  	_ =	shalt  }
0x6d: {  	_ =	shalt  }
0x6e: {  	_ =	shalt  }
0x6f: {  	_ =	shalt  }
0x70: {  	_ =	shalt  }
0x71: {  	_ =	shalt  }
0x72: {  	_ =	shalt  }
0x73: {  	_ =	shalt  }
0x74: {  	_ =	shalt  }
0x75: {  	_ =	shalt  }
0x76: {  	_ =	shalt  }
0x77: {  	_ =	shalt  }
0x78: {  	_ =	shalt  }
0x79: {  	_ =	shalt  }
0x7a: {  	_ =	shalt  }
0x7b: {  	_ =	shalt  }
0x7c: {  	_ =	shalt  }
0x7d: {  	_ =	shalt  }
0x7e: {  	_ =	shalt  }
0x7f: {  	_ =	shalt  }
0x80: {  	_ =	shalt  }
0x81: {  	_ =	shalt  }
0x82: {  	_ =	shalt  }
0x83: {  	_ =	shalt  }
0x84: {  	_ =	shalt  }
0x85: {  	_ =	shalt  }
0x86: {  	_ =	shalt  }
0x87: {  	_ =	shalt  }
.Lfunc_end0:
.L_simem_size_0:
called_computation_lowered:
.L_overlay_start_0:
0x88: {  	s2 =	sld [smem:$0x3FD9]  }
0x89: {  	s3 =	sld [smem:$0x3FFE];
	_ =	sdelay $0x1  }
0x8a: {  	s1 =	srdreg.scid  }
0x8b: {  	s0 =	sand.u32 $0x1, s1  }
0x8c: {  	s15 =	sshll.u32 s0, $0xA;
	s2 =	sadd.s32 s3, s2  }
0x8d: {  	s2 =	sadd.s32 s2, s15  }
0x8e: {  	[smem:$0x3FC5] =	sst s2  }
0x8f: {  	_ = 	snop  }
0x90: {  	s2 =	sld [smem:$0x3FD0]  }
0x91: {  	s16 =	sld [smem:$0x3FC9]  }
0x92: {  	s4 =	sld [smem:$0x3FC8]  }
0x93: {  	s6 =	simm.s32 $0xA;
	s7 =	simm.s32 $0x10;
	s5 =	sld [smem:$0x3FC7]  }
0x94: {  	[smem:s7], [sflag:s6] =	dma.local [hbm:s2], $0x1  }
0x95: {  	_ =	swait.eq [sflag:s6], $0x1  }
0x96: {  	[sflag:s6] =	ssyncset.done $0x0  }
0x97: {  	s17 =	sld [smem:$0x10];
	[sflag:s6] =	ssyncadd.s32 $0xFFFFFFFF  }
0x98: {  	s18 =	sld [smem:$0x11];
	(tm) =	ssettm $0x1  }
0x99: {  	s19 =	sld [smem:$0x3FFB];
	_ =	sdelay $0x3  }
0x9a: {  	_ =	strace s19  }
0x9b: {  	s7 =	sld [smem:$0x3FFC];
	_ =	sdelay $0x3  }
0x9c: {  	_ =	strace s7  }
0x9d: {  	s7 =	sld [smem:$0x3FFD];
	_ =	sdelay $0x3  }
0x9e: {  	_ =	strace s7  }
0x9f: {  	_ =	strace $0x8FFFFFFF  }
0xa0: {  	s20 =	sld [smem:$0x3FDB];
	_ =	sdelay $0x1  }
0xa1: {  	s8 =	simm.s32 $_scs_section_size  }
0xa2: {  	s9 =	simm.s32 $_size__tile_overlayer_lowered;
	s10 =	simm.s32 $_tile_overlayer_lowered  }
0xa3: {  	s23 =	simm.s32 $0x1BFF;
	s22 =	sshll.u32 s10, $0x1;
	s7 =	sadd.s32 s8, s20  }
0xa4: {  	s11 =	simm.s32 $0x0;
	s21 =	sshll.u32 s9, $0x1;
	s9 =	sadd.s32 s22, s7  }
0xa5: {  	[timem:s11], [sflag:s23] =	dma.local [hbm:s9], s21  }
0xa6: {  	_ =	swait.ge [sflag:s23], s21  }
0xa7: {  	s8 =	ssub.s32 $0x0, s21;
	[sflag:s23] =	ssyncset.done $0x0  }
0xa8: {  	[sflag:s23] =	ssyncadd.s32 s8;
	_ =	sdelay $0x1  }
0xa9: {  	s24 =	simm.s32 $0x1B8B  }
0xaa: {  	_ =	swait.ge [sflag:s24], $0x1  }
0xab: {  	[sflag:s24] =	ssyncset.done $0x0  }
0xac: {  	s25 =	simm.s32 $0x1B8E;
	[sflag:s24] =	ssyncadd.s32 $0xFFFFFFFF  }
0xad: {  	s26 =	simm.s32 $execute0_lowered;
	[smem:$0x3FD2] =	sst s25  }
0xae: {  	s8 =	sshll.u32 s26, $0x1;
	_ =	strace $0x80000046;
	[dreg:$0x1] =	wrdreg $0xFFFFFFFF  }
0xaf: {  	s28 =	simm.s32 $_size_execute0_lowered;
	s7 =	sadd.s32 s7, s8;
	[dreg:$0x0] =	wrdreg $0x0  }
0xb0: {  	s8 =	sshll.u32 s28, $0x1;
	[dreg:$0x2] =	wrdreg s7  }
0xb1: {  	[dreg:$0x3] =	wrdreg s8  }
0xb2: {  	[dreg:$0x4] =	wrdreg $0xC0  }
0xb3: {  	_ =	task [dreg:s11], $0x5FFFF  }
0xb4: {  	[dreg:$0x1] =	wrdreg $0xFFFFFFFF  }
0xb5: {  	[dreg:$0x0] =	wrdreg $0x60  }
0xb6: {  	[dreg:$0x2] =	wrdreg s16  }
0xb7: {  	[dreg:$0x3] =	wrdreg s4  }
0xb8: {  	[dreg:$0x4] =	wrdreg s5  }
0xb9: {  	[dreg:$0x5] =	wrdreg s17  }
0xba: {  	[dreg:$0x6] =	wrdreg s18  }
0xbb: {  	[dreg:$0x7] =	wrdreg $0x9  }
0xbc: {  	_ =	task.clear_ibuf [dreg:s11], $0x8FFFF;
	_ =	strace $0x90000046  }
0xbd: {  	s29 =	simm.s32 $0x9;
	_ =	strace $0x80000054  }
0xbe: {  	_ =	swait.ge [sflag:s29], $0x1  }
0xbf: {  	[sflag:s29] =	ssyncadd.s32 $0xFFFFFFFF  }
0xc0: {  	_ =	strace $0x90000054  }
0xc1: {  	_ =	sfence  }
0xc2: {  	s30 =	sld [smem:$0x0];
	_ =	sdelay $0x2  }
0xc3: {  	s31 =	sshll.u32 s1, $0xD;
	s1 =	sshrl.u32 s1, $0x2  }
0xc4: {  	s3 =	sand.u32 $0x4000, s31;
	s1 =	sadd.s32 s1, s30  }
0xc5: {  	s0 =	sor.u32 s3, s0;
	s1 =	sshll.u32 s1, $0x11  }
0xc6: {  	s0 =	sor.u32 s1, s0  }
0xc7: {  	s0 =	sadd.s32 $0x8F2B, s0  }
0xc8: {  	[sflag:s0] =	ssyncadd.remote.s32 $0x1  }
0xc9: {  	_ =	sfence.sel $0xFFFF  }
0xca: {  	[dreg:$0x0] =	wrdreg $0xFFFFFFFF;
	(pc) =	sbr.abs _section_cstart, $3  }
0xcb: {  	[dreg:$0x1] =	wrdreg $0xFFFFFFFF  }
0xcc: {  	_ =	task.clear_ibuf [dreg:s11], $0x2FFFF;
	_ =	strace $0x9FFFFFFF  }
0xcd: {  	(tm) =	ssettm $0x7FFFFFFF  }
tec
execute0_lowered:
.L_overlay_start_1:
0x0: {  	(tag) =	ssettag $0x1  }
0x1: {  	s1 =	srdreg.scid  }
0x2: {  	s0 =	rddreg [dreg:$0x0];
	s1 =	sand.u32 $0x1, s1  }
0x3: {  	s2 =	rddreg [dreg:$0x1];
	s6 =	stileid.u32;
	s4 =	sshll.u32 s1, $0x4  }
0x4: {  	s3 =	rddreg [dreg:$0x2];
	s4 =	sor.u32 s6, s4  }
0x5: {  	s5 =	rddreg [dreg:$0x3];
	s7 =	simm.s32 $0x0;
	s8 =	smul.u32 $0x4E, s4  }
0x6: {  	s15 =	simm.s32 $0x80;
	s16 =	simm.s32 $0x1;
	s9 =	smul.u32 $0x4F, s4  }
0x7: {  	s17 =	simm.s32 $0x2;
	p0 =	slt.u32 s4, $0x4;
	s8 =	sadd.s32 $0x4, s8  }
0x8: {  	s18 =	simm.s32 $0x0;
	[smem:$0x7FF] =	sst s7;
	s8 =	smov.u32 @p0 s9  }
0x9: {  	s1 =	ssub.s32 $0x2, s1;
	s6 =	rddreg [dreg:$0x4];
	s10 =	sshll.u32 s8, $0x4  }
0xa: {  	_ =	strace $0x80000047;
	s30 =	sshrl.u32 s1, $0x1;
	s31 =	sand.u32 $0x1FFFFFF0, s10  }
0xb: {  	s1 =	ssub.s32 s1, s30;
	s9 =	simm.s32 $0x4F;
	s10 =	sadd.s32 s2, s31  }
0xc: {  	s9 =	simm.s32 @!p0 $0x4E;
	s4 =	sadd.s32 s3, s31;
	[dreg:$0x6] =	wrdreg s10  }
0xd: {  	s13 =	smax.u32 s1, $0x1;
	s12 =	sadd.s32 $0xFFFFFFFF, s9;
	[dreg:$0x7] =	wrdreg s4  }
.LBB2_1:
0xe: {  	_ =	strace $0x80000048;
	s4 =	simm.s32 $0x100;
	s30 =	simm.s32 $0x0  }
0xf: {  	s19 =	simm.s32 $0x0;
	s20 =	simm.s32 $0x0;
	s26 =	simm.s32 $0x0  }
0x10: {  	s21 =	simm.s32 $0x0;
	s22 =	simm.s32 $0x0;
	s1 =	rddreg [dreg:$0x6]  }
0x11: {  	[tilespmem:s7], [sflag:$0x3] =	stream.linear.gather [hbm4b:s1+s7], $0x80, $0x200038;
	[tilespmem:$0x10200] =	vst v63  }
0x12: {  	s23 =	simm.s32 $0x1;
	s24 =	simm.s32 $0x0;
	s31 =	rddreg [dreg:$0x7]  }
0x13: {  	[tilespmem:s4], [sflag:$0x5] =	stream.linear.gather [hbm4b:s31+s7], $0x80, $0x200038;
	[tilespmem:$0x10200] =	vst v63  }
0x14: {  	s29 =	simm.s32 $0x1;
	s25 =	simm.s32 $0x0;
	_ =	strace $0x90000048  }
.LBB2_2:
0x15: {  	s28 =	sadd.s32 $0x1, s30  }
0x16: {  	p0 =	seq.s32 s28, s9  }
0x17: {  	s28 =	simm.s32 @p0 $0x0;
	p0 =	sge.u32 s25, s12  }
0x18: {  	p1 =	seq.s32 @!p0 s30, s28  }
0x19: {  	p2 =	por p1, p0  }
0x1a: {  	s1 =	sadd.s32 @!p2 s8, s28  }
0x1b: {  	s4 =	sand.u32 @!p2 $0x1, s29;
	s1 =	sshll.u32 @!p2 s1, $0x4  }
0x1c: {  	_ =	strace @!p2 $0x80000049;
	s31 =	simm.s32 @!p2 $0x0;
	s1 =	sand.u32 @!p2 $0x1FFFFFF0, s1  }
0x1d: {  	s10 =	sshll.u32 @!p2 s4, $0x7;
	s4 =	sadd.s32 @!p2 $0x3, s4;
	s14 =	sadd.s32 @!p2 s2, s1  }
0x1e: {  	[tilespmem:s10], [sflag:s4] =	stream.linear.gather @!p2 [hbm4b:s14+s31], $0x80, $0x200038;
	[tilespmem:$0x10200] =	vst v63  }
0x1f: {  	s4 =	sand.u32 @!p2 $0x1, s23  }
0x20: {  	s1 =	sadd.s32 @!p2 s3, s1;
	_ =	strace @!p2 $0x90000049;
	s10 =	sshll.u32 @!p2 s4, $0x7  }
0x21: {  	s4 =	sadd.s32 @!p2 $0x5, s4;
	_ =	strace @!p2 $0x8000004A;
	s10 =	sor.u32 @!p2 $0x100, s10  }
0x22: {  	[tilespmem:s10], [sflag:s4] =	stream.linear.gather @!p2 [hbm4b:s1+s31], $0x80, $0x200038;
	[tilespmem:$0x10200] =	vst v63  }
0x23: {  	s10 =	sand.u32 $0x1, s24;
	_ =	strace @!p2 $0x9000004A  }
0x24: {  	s1 =	sadd.s32 $0x3, s10;
	_ =	strace $0x8000004B  }
0x25: {  	_ =	swait.ge [sflag:s1], $0x80  }
0x26: {  	[sflag:s1] =	ssyncset.done $0x0  }
0x27: {  	[sflag:s1] =	ssyncadd.s32 $0xFFFFFF80  }
0x28: {  	s11 =	sand.u32 $0x1, s22;
	_ =	strace $0x9000004B  }
0x29: {  	s1 =	sadd.s32 $0x5, s11;
	_ =	strace $0x8000004C  }
0x2a: {  	s4 =	sand.u32 $0x1, s21;
	_ =	swait.ge [sflag:s1], $0x80  }
0x2b: {  	s31 =	sshll.u32 s24, $0x7;
	s14 =	sshll.u32 s4, $0xE;
	[sflag:s1] =	ssyncset.done $0x0  }
0x2c: {  	s10 =	sand.u32 $0x80, s31;
	s14 =	sor.u32 $0x200, s14;
	[sflag:s1] =	ssyncadd.s32 $0xFFFFFF80  }
0x2d: {  	s11 =	sshll.u32 s22, $0x7;
	s1 =	sand.u32 $0x1, s20;
	_ =	strace $0x9000004C  }
0x2e: {  	s11 =	sand.u32 $0x80, s11;
	s31 =	sshll.u32 s1, $0xE;
	_ =	strace $0x8000004D  }
0x2f: {  	[tilespmem:s14], [sflag:$0x1] =	stream.indirect.gather [hbm4b:s0+s15], $0x80, s10, s15, $0x2000b8;
	[tilespmem:$0x10200] =	vst v63  }
0x30: {  	s11 =	sor.u32 $0x100, s11;
	s10 =	sor.u32 $0x8200, s31  }
0x31: {  	[tilespmem:s10], [sflag:$0x2] =	stream.indirect.gather [hbm4b:s0+s15], $0x80, s11, s15, $0x2000b8;
	[tilespmem:$0x10200] =	vst v63  }
0x32: {  	_ =	swait.ge [sflag:s16], $0x4000  }
0x33: {  	p3 =	seq.s32 s12, s25;
	[sflag:s16] =	ssyncset.done $0x0  }
0x34: {  	p4 =	seq.s32 @!p3 s30, s28;
	[sflag:s16] =	ssyncadd.s32 $0xFFFFC000  }
0x35: {  	p3 =	por p3, !p4;
	_ =	swait.ge [sflag:s17], $0x4000  }
0x36: {  	s11 =	sadd.s32 @p3 s8, s30;
	[sflag:s17] =	ssyncset.done $0x0  }
0x37: {  	s11 =	sshll.u32 @p3 s11, $0xB;
	[sflag:s17] =	ssyncadd.s32 $0xFFFFC000  }
0x38: {  	p1 =	por !p1, p0;
	s11 =	sand.u32 @p3 $0x1FFFF800, s11;
	_ =	strace $0x9000004D  }
0x39: {  	s4 =	sadd.s32 @p3 $0x7, s4;
	s30 =	sadd.s32 @p3 s5, s11;
	_ =	strace @p3 $0x8000004E  }
0x3a: {  	[hbm4b:s30+s7] =	stream.linear.scatter @p3 [tilespmem:s14], [sflag:s4], $0x4000, $0x200038;
	[tilespmem:$0x10200] =	vst v63  }
0x3b: {  	s21 =	sadd.s32 @p3 $0x1, s21;
	s1 =	sadd.s32 @p3 $0x9, s1;
	_ =	strace @p3 $0x9000004E  }
0x3c: {  	s31 =	simm.s32 $0x0;
	s4 =	sadd.s32 @p3 s6, s11;
	_ =	strace @p3 $0x8000004F  }
0x3d: {  	[hbm4b:s4+s7] =	stream.linear.scatter @p3 [tilespmem:s10], [sflag:s1], $0x4000, $0x200038;
	[tilespmem:$0x10200] =	vst v63  }
0x3e: {  	s31 =	simm.s32 @p3 $0x1;
	_ =	strace @p3 $0x9000004F;
	p3 =	seq.s32 s25, $0x0  }
0x3f: {  	s20 =	sadd.s32 s20, s31;
	s24 =	sadd.s32 s24, s31;
	s1 =	sand.u32 @!p3 $0x1, s26  }
0x40: {  	s22 =	sadd.s32 s22, s31;
	_ =	strace @!p3 $0x80000050;
	s1 =	sadd.s32 @!p3 $0x7, s1  }
0x41: {  	s11 =	smov.u32 s29;
	s4 =	sadd.s32 @!p2 $0x1, s29;
	_ =	swait.ge @!p3 [sflag:s1], $0x4000  }
0x42: {  	s11 =	smov.u32 @p1 s4;
	s25 =	sadd.s32 $0x1, s25;
	[sflag:s1] =	ssyncset.done @!p3 $0x0  }
0x43: {  	s10 =	sand.u32 @!p3 $0x1, s19;
	[sflag:s1] =	ssyncadd.s32 @!p3 $0xFFFFC000;
	s1 =	simm.s32 $0x0  }
0x44: {  	s11 =	smov.u32 @p0 s29;
	s4 =	simm.s32 @!p3 $0x1;
	s1 =	simm.s32 @p1 $0x1  }
0x45: {  	_ =	strace @!p3 $0x90000050;
	s1 =	simm.s32 @p0 $0x0;
	p0 =	sne.s32 s9, s25  }
.Ltmp0:
0x46: {  	s10 =	sadd.s32 @!p3 $0x9, s10;
	_ =	strace @!p3 $0x80000051;
	(pc) =	sbr.rel @p0 .LBB2_2-.Ltmp0, $4  }
0x47: {  	s30 =	smov.u32 s28;
	s4 =	simm.s32 @p3 $0x0;
	_ =	swait.ge @!p3 [sflag:s10], $0x4000  }
0x48: {  	s23 =	sadd.s32 s23, s1;
	s1 =	sadd.s32 @!p3 $0x1, s26;
	[sflag:s10] =	ssyncset.done @!p3 $0x0  }
0x49: {  	s29 =	smov.u32 s11;
	s1 =	smov.u32 @p3 s26;
	[sflag:s10] =	ssyncadd.s32 @!p3 $0xFFFFC000  }
0x4a: {  	s19 =	sadd.s32 s19, s4;
	s26 =	smov.u32 s1;
	_ =	strace @!p3 $0x90000051  }
0x4b: {  	s1 =	sand.u32 $0x1, s1  }
0x4c: {  	_ =	strace $0x80000052;
	s1 =	sadd.s32 $0x7, s1  }
0x4d: {  	_ =	swait.ge [sflag:s1], $0x4000  }
0x4e: {  	[sflag:s1] =	ssyncset.done $0x0  }
0x4f: {  	s18 =	sadd.s32 $0x1, s18;
	[sflag:s1] =	ssyncadd.s32 $0xFFFFC000  }
0x50: {  	s31 =	sand.u32 $0x1, s19;
	p0 =	sne.s32 s18, s13;
	_ =	strace $0x90000052  }
.Ltmp1:
0x51: {  	s1 =	sadd.s32 $0x9, s31;
	_ =	strace $0x80000053;
	(pc) =	sbr.rel @p0 .LBB2_1-.Ltmp1, $4  }
0x52: {  	_ =	swait.ge [sflag:s1], $0x4000  }
0x53: {  	[sflag:s1] =	ssyncset.done $0x0  }
0x54: {  	[sflag:s1] =	ssyncadd.s32 $0xFFFFC000  }
0x55: {  	_ =	strace $0x90000053  }
0x56: {  	_ =	sfence.sel $0x180000  }
0x57: {  	[bflag:$0x0] =	sbarrier.arrive $0xFFFF  }
0x58: {  	_ =	strace $0x90000047  }
0x59: {  	s0 =	stileid.u32;
	[bflag:$0x2] =	sbarrier.arrive $0xFFFF  }
0x5a: {  	p0 =	sne.s32 s0, $0x0;
	s0 =	rddreg [dreg:$0x5]  }
0x5b: {  	s0 =	sadd.s32 @!p0 $0x100000, s0  }
0x5c: {  	[sflag:s0] =	ssyncadd.tile.s32 @!p0 $0x1;
	_ =	shalt  }
.Lfunc_end2:
_tile_overlayer_lowered:
.L_overlay_start_2:
0x5d: {  	(tag) =	ssettag $0x2  }
0x5e: {  	s0 =	rddreg [dreg:$0x0];
	s2 =	stileid.u32  }
0x5f: {  	s1 =	rddreg [dreg:$0x1];
	p0 =	sne.s32 s2, $0x0  }
0x60: {  	s3 =	rddreg [dreg:$0x2];
	[bflag:$0x3] =	sbarrier.arrive $0xFFFF;
	s2 =	simm.s32 @!p0 $0x1C03  }
0x61: {  	[timem:s3], [sflag:s2] =	dma.local @!p0 [hbm:s0], s1  }
0x62: {  	s0 =	simm.s32 @!p0 $0x3  }
0x63: {  	_ =	swait.ge @!p0 [sflag:s0], s1  }
0x64: {  	s1 =	ssub.s32 @!p0 $0x0, s1;
	[sflag:s0] =	ssyncset.done @!p0 $0x0  }
0x65: {  	[sflag:s0] =	ssyncadd.s32 @!p0 s1  }
0x66: {  	[bflag:$0x3] =	sbarrier.arrive $0xFFFF  }
0x67: {  	_ =	shalt  }

</sc_bundles>
